<compile_context>
chip_gen: v7x
topology: tpu7x:2x2x1
jax: 0.10.2.dev20260603
libtpu: 0.0.44.dev20260713+nightly
codegen_flags: <defaults>
</compile_context>

<pallas_src>
import functools

import jax
import jax.numpy as jnp
from jax import lax
from jax.experimental import pallas as pl
from jax.experimental.pallas import tpu as pltpu
from jax.experimental.pallas import tpu_sc as plsc

V = 1000000
B = 16384
S = 50
D = 64
NL = 5
NLP = 16

NC = 2
NS = 16
L = 16
NW = NC * NS
BPW = B // NW
CH = 32
ROWS = CH * S
NCHUNK = BPW // CH
NBUF = 3



_RB = 4096
_SH2 = 12
_NSEG = 8
_CB = _NSEG * _RB
_SH1 = 15
_GRID = -(-V // _CB)
_PROWS = _GRID * _RB
_TABV = _PROWS * _NSEG


def _fold_body(x_ref, ws_ref, o_ref):
    xt = x_ref[...].astype(jnp.bfloat16).T
    for s in range(_NSEG):
        y = jnp.dot(xt[s * _RB:(s + 1) * _RB, :],
                    ws_ref[s * D:(s + 1) * D, :],
                    preferred_element_type=jnp.float32)
        o_ref[:, s * NLP:(s + 1) * NLP] = y[:, s * NLP:(s + 1) * NLP]


_fold = pl.pallas_call(
    _fold_body,
    grid=(_GRID,),
    in_specs=[
        pl.BlockSpec((D, _CB), lambda i: (0, i)),
        pl.BlockSpec((_NSEG * D, _NSEG * NLP), lambda i: (0, 0)),
    ],
    out_specs=pl.BlockSpec((_RB, _NSEG * NLP), lambda i: (i, 0)),
    out_shape=jax.ShapeDtypeStruct((_PROWS, _NSEG * NLP), jnp.float32),
    compiler_params=pltpu.CompilerParams(fuse_transposed_lhs_in_matmul=True),
)




def _pool_body(tok_hbm, tab_hbm, out_hbm, tok_v, out_v, idx0, idx1, idx2,
               buf0, buf1, buf2, sem0, sem1, sem2):
    wid = lax.axis_index("s") * NC + lax.axis_index("c")
    pltpu.sync_copy(tok_hbm.at[:, pl.ds(wid * BPW, BPW)], tok_v)

    idxs = (idx0, idx1, idx2)
    bufs = (buf0, buf1, buf2)
    sems = (sem0, sem1, sem2)

    def _xform(c, idx_buf):
        def _t(t, _):
            for jj in range(CH // L):
                i = tok_v[t, pl.ds(c * CH + jj * L, L)]
                v = (((i >> _SH1) << _SH2) | (i & (_RB - 1)))
                v = (v << 3) | ((i >> _SH2) & (_NSEG - 1))
                idx_buf[pl.ds(t * CH + jj * L, L)] = v
            return 0

        lax.fori_loop(0, S, _t, 0)

    for k in range(NBUF):
        _xform(k, idxs[k])
        pltpu.async_copy(tab_hbm.at[idxs[k]], bufs[k], sems[k])

    @pl.loop(0, NCHUNK, step=NBUF)
    def _chunks(g0):
        for k in range(NBUF):
            g = g0 + k
            buf = bufs[k]

            @pl.when(g < NCHUNK)
            def _():
                pltpu.make_async_copy(tab_hbm.at[idxs[k]], buf,
                                      sems[k]).wait()

                def _elem(e, _):
                    zero = jnp.zeros((L,), jnp.float32)
                    acc = [zero, zero, zero, zero]
                    for t in range(S):
                        acc[t % 4] = acc[t % 4] + buf[t * CH + e,
                                                      pl.ds(0, L)]
                    orow = g * CH + e
                    out_v[orow, pl.ds(0, L)] = (acc[0] + acc[1]) + (acc[2] +
                                                                    acc[3])
                    return 0

                lax.fori_loop(0, CH, _elem, 0)

                @pl.when(g + NBUF < NCHUNK)
                def _():
                    _xform(g + NBUF, idxs[k])
                    pltpu.async_copy(tab_hbm.at[idxs[k]], buf, sems[k])

    pltpu.sync_copy(out_v, out_hbm.at[pl.ds(wid * BPW, BPW)])


@functools.cache
def _make_pool():
    return pl.kernel(
        _pool_body,
        out_type=jax.ShapeDtypeStruct((B, NLP), jnp.float32),
        mesh=plsc.VectorSubcoreMesh(core_axis_name="c", subcore_axis_name="s",
                                    num_cores=NC, num_subcores=NS),
        compiler_params=pltpu.CompilerParams(use_tc_tiling_on_sc=False),
        scratch_types=[
            pltpu.VMEM((S, BPW), jnp.int32),
            pltpu.VMEM((BPW, NLP), jnp.float32),
            pltpu.VMEM((ROWS,), jnp.int32),
            pltpu.VMEM((ROWS,), jnp.int32),
            pltpu.VMEM((ROWS,), jnp.int32),
            pltpu.VMEM((ROWS, NLP), jnp.float32),
            pltpu.VMEM((ROWS, NLP), jnp.float32),
            pltpu.VMEM((ROWS, NLP), jnp.float32),
            pltpu.SemaphoreType.DMA,
            pltpu.SemaphoreType.DMA,
            pltpu.SemaphoreType.DMA,
        ],
    )



_BT = 2048


def _cls_body(x_ref, b_ref, o_ref):
    logits = x_ref[:, 0:NL] * (1.0 / S) + b_ref[...]
    m = jnp.max(logits, axis=1, keepdims=True)
    ex = jnp.exp(logits - m)
    lse = jnp.log(jnp.sum(ex, axis=1, keepdims=True)) + m
    o_ref[...] = (logits - lse).T


_cls = pl.pallas_call(
    _cls_body,
    grid=(B // _BT,),
    in_specs=[
        pl.BlockSpec((_BT, NLP), lambda i: (i, 0)),
        pl.BlockSpec((1, NL), lambda i: (0, 0)),
    ],
    out_specs=pl.BlockSpec((NL, _BT), lambda i: (0, i)),
    out_shape=jax.ShapeDtypeStruct((NL, B), jnp.float32),
)


def kernel(batch_input, emb, W, b):
    wp = jnp.pad(W, ((0, 0), (0, NLP - NL)))
    ws = jnp.zeros((_NSEG * D, _NSEG * NLP), jnp.bfloat16)
    for s in range(_NSEG):
        ws = ws.at[s * D:(s + 1) * D,
                   s * NLP:(s + 1) * NLP].set(wp.astype(jnp.bfloat16))
    packed = _fold(emb.T, ws)
    tab = packed.reshape(_TABV, NLP)
    pooled = _make_pool()(batch_input.T, tab)
    return _cls(pooled, b.reshape(1, NL)).T

# --- scband reference (transcript-rebuilt; emitter-appended) ---
"""Pipeline reference for scband-lin-classifier-25907242729624 (READ-ONLY COPY).

The authoritative reference and input builder live on the scoring server;
editing this copy changes nothing except your own understanding.
"""

import jax, jax.numpy as jnp
import numpy as np

VOCAB = 1000000
EMB = 64
NUM_LABELS = 5
BATCH = 16384
SEQ = 50

def setup_inputs(seed: int = 0) -> dict:
    key = jax.random.key(seed)
    k1, k2, k3, k4 = jax.random.split(key, 4)
    batch_input = jax.random.randint(k1, (BATCH, SEQ), 0, VOCAB, dtype=jnp.int64 if jax.config.jax_enable_x64 else jnp.int32).astype(jnp.int32)
    emb = jax.random.normal(k2, (VOCAB, EMB), dtype=jnp.float32) * 0.02
    W = jax.random.normal(k3, (EMB, NUM_LABELS), dtype=jnp.float32) * 0.02
    b = jnp.zeros((NUM_LABELS,), dtype=jnp.float32)
    return {"batch_input": batch_input, "emb": emb, "W": W, "b": b}

def reference(batch_input, emb, W, b):
    # e = self.emb(batch_input)  -> gather rows of embedding table
    e = jnp.take(emb, batch_input, axis=0)            # [B, L, EMB]
    # e = e.sum(1) / len(batch_input[0])
    e = jnp.sum(e, axis=1) / batch_input.shape[1]     # [B, EMB]
    # probs = F.log_softmax(self.linear(e), dim=1)
    logits = e @ W + b                                # [B, num_labels]
    probs = jax.nn.log_softmax(logits, axis=1)
    return probs

if __name__ == "__main__":
    import jax
    _d = setup_inputs()
    print(jax.jit(kernel)(*tuple(_d.values())))

</pallas_src>

<mosaic_0001>
#map = affine_map<(d0, d1) -> (0, 0)>
module attributes {stable_mosaic.version = 14 : i64} {
  func.func @_pool_body(%arg0: i32, %arg1: i32, %arg2: memref<50x16384xi32, #tpu.memory_space<hbm>>, %arg3: memref<1015808x16xf32, #tpu.memory_space<hbm>>, %arg4: memref<16384x16xf32, #tpu.memory_space<hbm>>, %arg5: memref<50x512xi32, #tpu.memory_space<vmem>>, %arg6: memref<512x16xf32, #tpu.memory_space<vmem>>, %arg7: memref<1600xi32, #tpu.memory_space<vmem>>, %arg8: memref<1600xi32, #tpu.memory_space<vmem>>, %arg9: memref<1600xi32, #tpu.memory_space<vmem>>, %arg10: memref<1600x16xf32, #tpu.memory_space<vmem>>, %arg11: memref<1600x16xf32, #tpu.memory_space<vmem>>, %arg12: memref<1600x16xf32, #tpu.memory_space<vmem>>, %arg13: memref<!tpu.dma_semaphore, #tpu.memory_space<semaphore_mem>>, %arg14: memref<!tpu.dma_semaphore, #tpu.memory_space<semaphore_mem>>, %arg15: memref<!tpu.dma_semaphore, #tpu.memory_space<semaphore_mem>>) attributes {dimension_semantics = [#tpu.dimension_semantics<core_parallel>, #tpu.dimension_semantics<subcore_parallel>], iteration_bounds = array<i64: 2, 16>, scalar_prefetch = 0 : i64, scratch_operands = 11 : i64, tpu.core_type = #tpu.core_type<sc_vector_subcore>, window_params = [{transform_indices = #map}, {transform_indices = #map}, {transform_indices = #map}]} {
    %mul3A = arith.constant 2 : i32
    %mul3A_0 = arith.muli %arg1, %mul3A : i32
    %add3A = arith.addi %mul3A_0, %arg0 : i32
    %mul3A_1 = arith.constant 512 : i32
    %mul3A_2 = arith.muli %add3A, %mul3A_1 : i32
    "tpu.region"() ({
      %run_scoped3A = tpu.sem_alloc : memref<!tpu.dma_semaphore, #tpu.memory_space<semaphore_mem>>
      %dma_start3A_38 = arith.constant 0 : i32
      %dma_start3A_39 = tpu.memref_slice %arg2[%dma_start3A_38, %mul3A_2] : memref<50x16384xi32, #tpu.memory_space<hbm>> -> memref<50x512xi32, #tpu.memory_space<hbm>>
      %dma_start3A_40 = arith.constant 0 : i32
      %dma_start3A_41 = tpu.memref_slice %arg2[%dma_start3A_40, %mul3A_2] : memref<50x16384xi32, #tpu.memory_space<hbm>> -> memref<50x512xi32, #tpu.memory_space<hbm>>
      tpu.enqueue_dma source(%dma_start3A_41 : memref<50x512xi32, #tpu.memory_space<hbm>>) target(%arg5 : memref<50x512xi32, #tpu.memory_space<vmem>>) target_semaphore(%run_scoped3A : memref<!tpu.dma_semaphore, #tpu.memory_space<semaphore_mem>>)
      %dma_wait3A = arith.constant 0 : i32
      %dma_wait3A_42 = tpu.memref_slice %arg2[%dma_wait3A, %mul3A_2] : memref<50x16384xi32, #tpu.memory_space<hbm>> -> memref<50x512xi32, #tpu.memory_space<hbm>>
      %dma_wait3A_43 = arith.constant 0 : i32
      %dma_wait3A_44 = tpu.memref_slice %arg2[%dma_wait3A_43, %mul3A_2] : memref<50x16384xi32, #tpu.memory_space<hbm>> -> memref<50x512xi32, #tpu.memory_space<hbm>>
      tpu.wait_dma2 semaphore(%run_scoped3A : memref<!tpu.dma_semaphore, #tpu.memory_space<semaphore_mem>>) src(%dma_wait3A_44 : memref<50x512xi32, #tpu.memory_space<hbm>>) dst(%arg5 : memref<50x512xi32, #tpu.memory_space<vmem>>)
      tpu.yield
    }) : () -> ()
    %scan3A = arith.constant 0 : i32
    %scan3A_3 = arith.constant 0 : i32
    %scan3A_4 = arith.constant 50 : i32
    %scan3A_5 = arith.addi %scan3A_3, %scan3A_4 : i32
    %scan3A_6 = arith.constant 1 : i32
    %scan3A_7 = scf.for %scan3A_38 = %scan3A_3 to %scan3A_5 step %scan3A_6 iter_args(%scan3A_39 = %scan3A) -> (i32)  : i32 {
      %get3A = arith.index_cast %scan3A_38 : i32 to index
      %get3A_40 = arith.constant 0 : index
      %get3A_41 = tpu.vector_load %arg5[%get3A, %get3A_40] {strides = array<i32>} : memref<50x512xi32, #tpu.memory_space<vmem>>, vector<1x16xi32>,
      %get3A_42 = vector.shape_cast %get3A_41 : vector<1x16xi32> to vector<16xi32>
      %shift_right_arithmetic3A = arith.constant 15 : i32
      %shift_right_arithmetic3A_43 = vector.broadcast %shift_right_arithmetic3A : i32 to vector<16xi32>
      %shift_right_arithmetic3A_44 = arith.shrsi %get3A_42, %shift_right_arithmetic3A_43 : vector<16xi32>
      %shift_left3A = arith.constant 12 : i32
      %shift_left3A_45 = vector.broadcast %shift_left3A : i32 to vector<16xi32>
      %shift_left3A_46 = arith.shli %shift_right_arithmetic3A_44, %shift_left3A_45 : vector<16xi32>
      %and3A = arith.constant 4095 : i32
      %and3A_47 = vector.broadcast %and3A : i32 to vector<16xi32>
      %and3A_48 = arith.andi %get3A_42, %and3A_47 : vector<16xi32>
      %or3A = arith.ori %shift_left3A_46, %and3A_48 : vector<16xi32>
      %shift_left3A_49 = arith.constant 3 : i32
      %shift_left3A_50 = vector.broadcast %shift_left3A_49 : i32 to vector<16xi32>
      %shift_left3A_51 = arith.shli %or3A, %shift_left3A_50 : vector<16xi32>
      %shift_right_arithmetic3A_52 = arith.constant 12 : i32
      %shift_right_arithmetic3A_53 = vector.broadcast %shift_right_arithmetic3A_52 : i32 to vector<16xi32>
      %shift_right_arithmetic3A_54 = arith.shrsi %get3A_42, %shift_right_arithmetic3A_53 : vector<16xi32>
      %and3A_55 = arith.constant 7 : i32
      %and3A_56 = vector.broadcast %and3A_55 : i32 to vector<16xi32>
      %and3A_57 = arith.andi %shift_right_arithmetic3A_54, %and3A_56 : vector<16xi32>
      %or3A_58 = arith.ori %shift_left3A_51, %and3A_57 : vector<16xi32>
      %mul3A_59 = arith.constant 32 : i32
      %mul3A_60 = arith.muli %scan3A_38, %mul3A_59 : i32
      %add3A_61 = arith.constant 0 : i32
      %add3A_62 = arith.addi %mul3A_60, %add3A_61 : i32
      %swap3A = arith.index_cast %add3A_62 : i32 to index
      %swap3A_63 = tpu.vector_load %arg7[%swap3A] {strides = array<i32>} : memref<1600xi32, #tpu.memory_space<vmem>>, vector<16xi32>,
      %swap3A_64 = vector.shape_cast %swap3A_63 : vector<16xi32> to vector<16xi32>
      %swap3A_65 = vector.shape_cast %or3A_58 : vector<16xi32> to vector<16xi32>
      tpu.vector_store %arg7[%swap3A], %swap3A_65 {strides = array<i32>} : memref<1600xi32, #tpu.memory_space<vmem>>, vector<16xi32>,
      %get3A_66 = arith.index_cast %scan3A_38 : i32 to index
      %get3A_67 = arith.constant 16 : index
      %get3A_68 = tpu.vector_load %arg5[%get3A_66, %get3A_67] {strides = array<i32>} : memref<50x512xi32, #tpu.memory_space<vmem>>, vector<1x16xi32>,
      %get3A_69 = vector.shape_cast %get3A_68 : vector<1x16xi32> to vector<16xi32>
      %shift_right_arithmetic3A_70 = arith.constant 15 : i32
      %shift_right_arithmetic3A_71 = vector.broadcast %shift_right_arithmetic3A_70 : i32 to vector<16xi32>
      %shift_right_arithmetic3A_72 = arith.shrsi %get3A_69, %shift_right_arithmetic3A_71 : vector<16xi32>
      %shift_left3A_73 = arith.constant 12 : i32
      %shift_left3A_74 = vector.broadcast %shift_left3A_73 : i32 to vector<16xi32>
      %shift_left3A_75 = arith.shli %shift_right_arithmetic3A_72, %shift_left3A_74 : vector<16xi32>
      %and3A_76 = arith.constant 4095 : i32
      %and3A_77 = vector.broadcast %and3A_76 : i32 to vector<16xi32>
      %and3A_78 = arith.andi %get3A_69, %and3A_77 : vector<16xi32>
      %or3A_79 = arith.ori %shift_left3A_75, %and3A_78 : vector<16xi32>
      %shift_left3A_80 = arith.constant 3 : i32
      %shift_left3A_81 = vector.broadcast %shift_left3A_80 : i32 to vector<16xi32>
      %shift_left3A_82 = arith.shli %or3A_79, %shift_left3A_81 : vector<16xi32>
      %shift_right_arithmetic3A_83 = arith.constant 12 : i32
      %shift_right_arithmetic3A_84 = vector.broadcast %shift_right_arithmetic3A_83 : i32 to vector<16xi32>
      %shift_right_arithmetic3A_85 = arith.shrsi %get3A_69, %shift_right_arithmetic3A_84 : vector<16xi32>
      %and3A_86 = arith.constant 7 : i32
      %and3A_87 = vector.broadcast %and3A_86 : i32 to vector<16xi32>
      %and3A_88 = arith.andi %shift_right_arithmetic3A_85, %and3A_87 : vector<16xi32>
      %or3A_89 = arith.ori %shift_left3A_82, %and3A_88 : vector<16xi32>
      %mul3A_90 = arith.constant 32 : i32
      %mul3A_91 = arith.muli %scan3A_38, %mul3A_90 : i32
      %add3A_92 = arith.constant 16 : i32
      %add3A_93 = arith.addi %mul3A_91, %add3A_92 : i32
      %swap3A_94 = arith.index_cast %add3A_93 : i32 to index
      %swap3A_95 = tpu.vector_load %arg7[%swap3A_94] {strides = array<i32>} : memref<1600xi32, #tpu.memory_space<vmem>>, vector<16xi32>,
      %swap3A_96 = vector.shape_cast %swap3A_95 : vector<16xi32> to vector<16xi32>
      %swap3A_97 = vector.shape_cast %or3A_89 : vector<16xi32> to vector<16xi32>
      tpu.vector_store %arg7[%swap3A_94], %swap3A_97 {strides = array<i32>} : memref<1600xi32, #tpu.memory_space<vmem>>, vector<16xi32>,
      %scan3A_98 = arith.constant 0 : i32
      scf.yield %scan3A_98 : i32
    }
    %scan3A_8 = arith.constant 50 : i32
    %dma_start3A = arith.constant 0 : i32
    %dma_start3A_9 = arith.constant 0 : i32
    %dma_start3A_10 = tpu.memref_slice %arg3[%dma_start3A, %dma_start3A_9] : memref<1015808x16xf32, #tpu.memory_space<hbm>> -> memref<1015808x16xf32, #tpu.memory_space<hbm>>
    tpu.enqueue_indirect_dma source(%dma_start3A_10 : memref<1015808x16xf32, #tpu.memory_space<hbm>>) target(%arg10 : memref<1600x16xf32, #tpu.memory_space<vmem>>) offsets(%arg7 : memref<1600xi32, #tpu.memory_space<vmem>>) semaphore(%arg13 : memref<!tpu.dma_semaphore, #tpu.memory_space<semaphore_mem>>)
    %scan3A_11 = arith.constant 0 : i32
    %scan3A_12 = arith.constant 0 : i32
    %scan3A_13 = arith.constant 50 : i32
    %scan3A_14 = arith.addi %scan3A_12, %scan3A_13 : i32
    %scan3A_15 = arith.constant 1 : i32
    %scan3A_16 = scf.for %scan3A_38 = %scan3A_12 to %scan3A_14 step %scan3A_15 iter_args(%scan3A_39 = %scan3A_11) -> (i32)  : i32 {
      %get3A = arith.index_cast %scan3A_38 : i32 to index
      %get3A_40 = arith.constant 32 : index
      %get3A_41 = tpu.vector_load %arg5[%get3A, %get3A_40] {strides = array<i32>} : memref<50x512xi32, #tpu.memory_space<vmem>>, vector<1x16xi32>,
      %get3A_42 = vector.shape_cast %get3A_41 : vector<1x16xi32> to vector<16xi32>
      %shift_right_arithmetic3A = arith.constant 15 : i32
      %shift_right_arithmetic3A_43 = vector.broadcast %shift_right_arithmetic3A : i32 to vector<16xi32>
      %shift_right_arithmetic3A_44 = arith.shrsi %get3A_42, %shift_right_arithmetic3A_43 : vector<16xi32>
      %shift_left3A = arith.constant 12 : i32
      %shift_left3A_45 = vector.broadcast %shift_left3A : i32 to vector<16xi32>
      %shift_left3A_46 = arith.shli %shift_right_arithmetic3A_44, %shift_left3A_45 : vector<16xi32>
      %and3A = arith.constant 4095 : i32
      %and3A_47 = vector.broadcast %and3A : i32 to vector<16xi32>
      %and3A_48 = arith.andi %get3A_42, %and3A_47 : vector<16xi32>
      %or3A = arith.ori %shift_left3A_46, %and3A_48 : vector<16xi32>
      %shift_left3A_49 = arith.constant 3 : i32
      %shift_left3A_50 = vector.broadcast %shift_left3A_49 : i32 to vector<16xi32>
      %shift_left3A_51 = arith.shli %or3A, %shift_left3A_50 : vector<16xi32>
      %shift_right_arithmetic3A_52 = arith.constant 12 : i32
      %shift_right_arithmetic3A_53 = vector.broadcast %shift_right_arithmetic3A_52 : i32 to vector<16xi32>
      %shift_right_arithmetic3A_54 = arith.shrsi %get3A_42, %shift_right_arithmetic3A_53 : vector<16xi32>
      %and3A_55 = arith.constant 7 : i32
      %and3A_56 = vector.broadcast %and3A_55 : i32 to vector<16xi32>
      %and3A_57 = arith.andi %shift_right_arithmetic3A_54, %and3A_56 : vector<16xi32>
      %or3A_58 = arith.ori %shift_left3A_51, %and3A_57 : vector<16xi32>
      %mul3A_59 = arith.constant 32 : i32
      %mul3A_60 = arith.muli %scan3A_38, %mul3A_59 : i32
      %add3A_61 = arith.constant 0 : i32
      %add3A_62 = arith.addi %mul3A_60, %add3A_61 : i32
      %swap3A = arith.index_cast %add3A_62 : i32 to index
      %swap3A_63 = tpu.vector_load %arg8[%swap3A] {strides = array<i32>} : memref<1600xi32, #tpu.memory_space<vmem>>, vector<16xi32>,
      %swap3A_64 = vector.shape_cast %swap3A_63 : vector<16xi32> to vector<16xi32>
      %swap3A_65 = vector.shape_cast %or3A_58 : vector<16xi32> to vector<16xi32>
      tpu.vector_store %arg8[%swap3A], %swap3A_65 {strides = array<i32>} : memref<1600xi32, #tpu.memory_space<vmem>>, vector<16xi32>,
      %get3A_66 = arith.index_cast %scan3A_38 : i32 to index
      %get3A_67 = arith.constant 48 : index
      %get3A_68 = tpu.vector_load %arg5[%get3A_66, %get3A_67] {strides = array<i32>} : memref<50x512xi32, #tpu.memory_space<vmem>>, vector<1x16xi32>,
      %get3A_69 = vector.shape_cast %get3A_68 : vector<1x16xi32> to vector<16xi32>
      %shift_right_arithmetic3A_70 = arith.constant 15 : i32
      %shift_right_arithmetic3A_71 = vector.broadcast %shift_right_arithmetic3A_70 : i32 to vector<16xi32>
      %shift_right_arithmetic3A_72 = arith.shrsi %get3A_69, %shift_right_arithmetic3A_71 : vector<16xi32>
      %shift_left3A_73 = arith.constant 12 : i32
      %shift_left3A_74 = vector.broadcast %shift_left3A_73 : i32 to vector<16xi32>
      %shift_left3A_75 = arith.shli %shift_right_arithmetic3A_72, %shift_left3A_74 : vector<16xi32>
      %and3A_76 = arith.constant 4095 : i32
      %and3A_77 = vector.broadcast %and3A_76 : i32 to vector<16xi32>
      %and3A_78 = arith.andi %get3A_69, %and3A_77 : vector<16xi32>
      %or3A_79 = arith.ori %shift_left3A_75, %and3A_78 : vector<16xi32>
      %shift_left3A_80 = arith.constant 3 : i32
      %shift_left3A_81 = vector.broadcast %shift_left3A_80 : i32 to vector<16xi32>
      %shift_left3A_82 = arith.shli %or3A_79, %shift_left3A_81 : vector<16xi32>
      %shift_right_arithmetic3A_83 = arith.constant 12 : i32
      %shift_right_arithmetic3A_84 = vector.broadcast %shift_right_arithmetic3A_83 : i32 to vector<16xi32>
      %shift_right_arithmetic3A_85 = arith.shrsi %get3A_69, %shift_right_arithmetic3A_84 : vector<16xi32>
      %and3A_86 = arith.constant 7 : i32
      %and3A_87 = vector.broadcast %and3A_86 : i32 to vector<16xi32>
      %and3A_88 = arith.andi %shift_right_arithmetic3A_85, %and3A_87 : vector<16xi32>
      %or3A_89 = arith.ori %shift_left3A_82, %and3A_88 : vector<16xi32>
      %mul3A_90 = arith.constant 32 : i32
      %mul3A_91 = arith.muli %scan3A_38, %mul3A_90 : i32
      %add3A_92 = arith.constant 16 : i32
      %add3A_93 = arith.addi %mul3A_91, %add3A_92 : i32
      %swap3A_94 = arith.index_cast %add3A_93 : i32 to index
      %swap3A_95 = tpu.vector_load %arg8[%swap3A_94] {strides = array<i32>} : memref<1600xi32, #tpu.memory_space<vmem>>, vector<16xi32>,
      %swap3A_96 = vector.shape_cast %swap3A_95 : vector<16xi32> to vector<16xi32>
      %swap3A_97 = vector.shape_cast %or3A_89 : vector<16xi32> to vector<16xi32>
      tpu.vector_store %arg8[%swap3A_94], %swap3A_97 {strides = array<i32>} : memref<1600xi32, #tpu.memory_space<vmem>>, vector<16xi32>,
      %scan3A_98 = arith.constant 0 : i32
      scf.yield %scan3A_98 : i32
    }
    %scan3A_17 = arith.constant 50 : i32
    %dma_start3A_18 = arith.constant 0 : i32
    %dma_start3A_19 = arith.constant 0 : i32
    %dma_start3A_20 = tpu.memref_slice %arg3[%dma_start3A_18, %dma_start3A_19] : memref<1015808x16xf32, #tpu.memory_space<hbm>> -> memref<1015808x16xf32, #tpu.memory_space<hbm>>
    tpu.enqueue_indirect_dma source(%dma_start3A_20 : memref<1015808x16xf32, #tpu.memory_space<hbm>>) target(%arg11 : memref<1600x16xf32, #tpu.memory_space<vmem>>) offsets(%arg8 : memref<1600xi32, #tpu.memory_space<vmem>>) semaphore(%arg14 : memref<!tpu.dma_semaphore, #tpu.memory_space<semaphore_mem>>)
    %scan3A_21 = arith.constant 0 : i32
    %scan3A_22 = arith.constant 0 : i32
    %scan3A_23 = arith.constant 50 : i32
    %scan3A_24 = arith.addi %scan3A_22, %scan3A_23 : i32
    %scan3A_25 = arith.constant 1 : i32
    %scan3A_26 = scf.for %scan3A_38 = %scan3A_22 to %scan3A_24 step %scan3A_25 iter_args(%scan3A_39 = %scan3A_21) -> (i32)  : i32 {
      %get3A = arith.index_cast %scan3A_38 : i32 to index
      %get3A_40 = arith.constant 64 : index
      %get3A_41 = tpu.vector_load %arg5[%get3A, %get3A_40] {strides = array<i32>} : memref<50x512xi32, #tpu.memory_space<vmem>>, vector<1x16xi32>,
      %get3A_42 = vector.shape_cast %get3A_41 : vector<1x16xi32> to vector<16xi32>
      %shift_right_arithmetic3A = arith.constant 15 : i32
      %shift_right_arithmetic3A_43 = vector.broadcast %shift_right_arithmetic3A : i32 to vector<16xi32>
      %shift_right_arithmetic3A_44 = arith.shrsi %get3A_42, %shift_right_arithmetic3A_43 : vector<16xi32>
      %shift_left3A = arith.constant 12 : i32
      %shift_left3A_45 = vector.broadcast %shift_left3A : i32 to vector<16xi32>
      %shift_left3A_46 = arith.shli %shift_right_arithmetic3A_44, %shift_left3A_45 : vector<16xi32>
      %and3A = arith.constant 4095 : i32
      %and3A_47 = vector.broadcast %and3A : i32 to vector<16xi32>
      %and3A_48 = arith.andi %get3A_42, %and3A_47 : vector<16xi32>
      %or3A = arith.ori %shift_left3A_46, %and3A_48 : vector<16xi32>
      %shift_left3A_49 = arith.constant 3 : i32
      %shift_left3A_50 = vector.broadcast %shift_left3A_49 : i32 to vector<16xi32>
      %shift_left3A_51 = arith.shli %or3A, %shift_left3A_50 : vector<16xi32>
      %shift_right_arithmetic3A_52 = arith.constant 12 : i32
      %shift_right_arithmetic3A_53 = vector.broadcast %shift_right_arithmetic3A_52 : i32 to vector<16xi32>
      %shift_right_arithmetic3A_54 = arith.shrsi %get3A_42, %shift_right_arithmetic3A_53 : vector<16xi32>
      %and3A_55 = arith.constant 7 : i32
      %and3A_56 = vector.broadcast %and3A_55 : i32 to vector<16xi32>
      %and3A_57 = arith.andi %shift_right_arithmetic3A_54, %and3A_56 : vector<16xi32>
      %or3A_58 = arith.ori %shift_left3A_51, %and3A_57 : vector<16xi32>
      %mul3A_59 = arith.constant 32 : i32
      %mul3A_60 = arith.muli %scan3A_38, %mul3A_59 : i32
      %add3A_61 = arith.constant 0 : i32
      %add3A_62 = arith.addi %mul3A_60, %add3A_61 : i32
      %swap3A = arith.index_cast %add3A_62 : i32 to index
      %swap3A_63 = tpu.vector_load %arg9[%swap3A] {strides = array<i32>} : memref<1600xi32, #tpu.memory_space<vmem>>, vector<16xi32>,
      %swap3A_64 = vector.shape_cast %swap3A_63 : vector<16xi32> to vector<16xi32>
      %swap3A_65 = vector.shape_cast %or3A_58 : vector<16xi32> to vector<16xi32>
      tpu.vector_store %arg9[%swap3A], %swap3A_65 {strides = array<i32>} : memref<1600xi32, #tpu.memory_space<vmem>>, vector<16xi32>,
      %get3A_66 = arith.index_cast %scan3A_38 : i32 to index
      %get3A_67 = arith.constant 80 : index
      %get3A_68 = tpu.vector_load %arg5[%get3A_66, %get3A_67] {strides = array<i32>} : memref<50x512xi32, #tpu.memory_space<vmem>>, vector<1x16xi32>,
      %get3A_69 = vector.shape_cast %get3A_68 : vector<1x16xi32> to vector<16xi32>
      %shift_right_arithmetic3A_70 = arith.constant 15 : i32
      %shift_right_arithmetic3A_71 = vector.broadcast %shift_right_arithmetic3A_70 : i32 to vector<16xi32>
      %shift_right_arithmetic3A_72 = arith.shrsi %get3A_69, %shift_right_arithmetic3A_71 : vector<16xi32>
      %shift_left3A_73 = arith.constant 12 : i32
      %shift_left3A_74 = vector.broadcast %shift_left3A_73 : i32 to vector<16xi32>
      %shift_left3A_75 = arith.shli %shift_right_arithmetic3A_72, %shift_left3A_74 : vector<16xi32>
      %and3A_76 = arith.constant 4095 : i32
      %and3A_77 = vector.broadcast %and3A_76 : i32 to vector<16xi32>
      %and3A_78 = arith.andi %get3A_69, %and3A_77 : vector<16xi32>
      %or3A_79 = arith.ori %shift_left3A_75, %and3A_78 : vector<16xi32>
      %shift_left3A_80 = arith.constant 3 : i32
      %shift_left3A_81 = vector.broadcast %shift_left3A_80 : i32 to vector<16xi32>
      %shift_left3A_82 = arith.shli %or3A_79, %shift_left3A_81 : vector<16xi32>
      %shift_right_arithmetic3A_83 = arith.constant 12 : i32
      %shift_right_arithmetic3A_84 = vector.broadcast %shift_right_arithmetic3A_83 : i32 to vector<16xi32>
      %shift_right_arithmetic3A_85 = arith.shrsi %get3A_69, %shift_right_arithmetic3A_84 : vector<16xi32>
      %and3A_86 = arith.constant 7 : i32
      %and3A_87 = vector.broadcast %and3A_86 : i32 to vector<16xi32>
      %and3A_88 = arith.andi %shift_right_arithmetic3A_85, %and3A_87 : vector<16xi32>
      %or3A_89 = arith.ori %shift_left3A_82, %and3A_88 : vector<16xi32>
      %mul3A_90 = arith.constant 32 : i32
      %mul3A_91 = arith.muli %scan3A_38, %mul3A_90 : i32
      %add3A_92 = arith.constant 16 : i32
      %add3A_93 = arith.addi %mul3A_91, %add3A_92 : i32
      %swap3A_94 = arith.index_cast %add3A_93 : i32 to index
      %swap3A_95 = tpu.vector_load %arg9[%swap3A_94] {strides = array<i32>} : memref<1600xi32, #tpu.memory_space<vmem>>, vector<16xi32>,
      %swap3A_96 = vector.shape_cast %swap3A_95 : vector<16xi32> to vector<16xi32>
      %swap3A_97 = vector.shape_cast %or3A_89 : vector<16xi32> to vector<16xi32>
      tpu.vector_store %arg9[%swap3A_94], %swap3A_97 {strides = array<i32>} : memref<1600xi32, #tpu.memory_space<vmem>>, vector<16xi32>,
      %scan3A_98 = arith.constant 0 : i32
      scf.yield %scan3A_98 : i32
    }
    %scan3A_27 = arith.constant 50 : i32
    %dma_start3A_28 = arith.constant 0 : i32
    %dma_start3A_29 = arith.constant 0 : i32
    %dma_start3A_30 = tpu.memref_slice %arg3[%dma_start3A_28, %dma_start3A_29] : memref<1015808x16xf32, #tpu.memory_space<hbm>> -> memref<1015808x16xf32, #tpu.memory_space<hbm>>
    tpu.enqueue_indirect_dma source(%dma_start3A_30 : memref<1015808x16xf32, #tpu.memory_space<hbm>>) target(%arg12 : memref<1600x16xf32, #tpu.memory_space<vmem>>) offsets(%arg9 : memref<1600xi32, #tpu.memory_space<vmem>>) semaphore(%arg15 : memref<!tpu.dma_semaphore, #tpu.memory_space<semaphore_mem>>)
    %scan3A_31 = arith.constant 0 : i32
    %scan3A_32 = arith.constant 6 : i32
    %scan3A_33 = arith.addi %scan3A_31, %scan3A_32 : i32
    %scan3A_34 = arith.constant 1 : i32
    scf.for %scan3A_38 = %scan3A_31 to %scan3A_33 step %scan3A_34  : i32 {
      %mul3A_39 = arith.constant 3 : i32
      %mul3A_40 = arith.muli %scan3A_38, %mul3A_39 : i32
      %add3A_41 = arith.constant 0 : i32
      %add3A_42 = arith.addi %add3A_41, %mul3A_40 : i32
      %add3A_43 = arith.constant 0 : i32
      %add3A_44 = arith.addi %add3A_42, %add3A_43 : i32
      %lt3A = arith.constant 16 : i32
      %lt3A_45 = arith.cmpi slt, %add3A_44, %lt3A : i32
      %convert_element_type3A = arith.extui %lt3A_45 : i1 to i32
      %cond3A = arith.constant 0 : i32
      %cond3A_46 = arith.cmpi ne, %convert_element_type3A, %cond3A : i32
      scf.if %cond3A_46 {
        %dma_wait3A = arith.constant 0 : i32
        %dma_wait3A_61 = arith.constant 0 : i32
        %dma_wait3A_62 = tpu.memref_slice %arg3[%dma_wait3A, %dma_wait3A_61] : memref<1015808x16xf32, #tpu.memory_space<hbm>> -> memref<1015808x16xf32, #tpu.memory_space<hbm>>
        tpu.wait_indirect_dma semaphore(%arg13 : memref<!tpu.dma_semaphore, #tpu.memory_space<semaphore_mem>>) src(%dma_wait3A_62 : memref<1015808x16xf32, #tpu.memory_space<hbm>>) dst(%arg10 : memref<1600x16xf32, #tpu.memory_space<vmem>>)
        %scan3A_63 = arith.constant 0 : i32
        %scan3A_64 = arith.constant 0 : i32
        %scan3A_65 = arith.constant 32 : i32
        %scan3A_66 = arith.addi %scan3A_64, %scan3A_65 : i32
        %scan3A_67 = arith.constant 1 : i32
        %scan3A_68 = scf.for %scan3A_77 = %scan3A_64 to %scan3A_66 step %scan3A_67 iter_args(%scan3A_78 = %scan3A_63) -> (i32)  : i32 {
          %broadcast_in_dim3A = arith.constant 0.000000e+00 : f32
          %broadcast_in_dim3A_79 = vector.broadcast %broadcast_in_dim3A : f32 to vector<16xf32>
          %add3A_80 = arith.constant 0 : i32
          %add3A_81 = arith.addi %add3A_80, %scan3A_77 : i32
          %get3A = arith.index_cast %add3A_81 : i32 to index
          %get3A_82 = arith.constant 0 : index
          %get3A_83 = tpu.vector_load %arg10[%get3A, %get3A_82] {strides = array<i32>} : memref<1600x16xf32, #tpu.memory_space<vmem>>, vector<1x16xf32>,
          %get3A_84 = vector.shape_cast %get3A_83 : vector<1x16xf32> to vector<16xf32>
          %add3A_85 = arith.addf %broadcast_in_dim3A_79, %get3A_84 : vector<16xf32>
          %add3A_86 = arith.constant 32 : i32
          %add3A_87 = arith.addi %add3A_86, %scan3A_77 : i32
          %get3A_88 = arith.index_cast %add3A_87 : i32 to index
          %get3A_89 = arith.constant 0 : index
          %get3A_90 = tpu.vector_load %arg10[%get3A_88, %get3A_89] {strides = array<i32>} : memref<1600x16xf32, #tpu.memory_space<vmem>>, vector<1x16xf32>,
          %get3A_91 = vector.shape_cast %get3A_90 : vector<1x16xf32> to vector<16xf32>
          %add3A_92 = arith.addf %broadcast_in_dim3A_79, %get3A_91 : vector<16xf32>
          %add3A_93 = arith.constant 64 : i32
          %add3A_94 = arith.addi %add3A_93, %scan3A_77 : i32
          %get3A_95 = arith.index_cast %add3A_94 : i32 to index
          %get3A_96 = arith.constant 0 : index
          %get3A_97 = tpu.vector_load %arg10[%get3A_95, %get3A_96] {strides = array<i32>} : memref<1600x16xf32, #tpu.memory_space<vmem>>, vector<1x16xf32>,
          %get3A_98 = vector.shape_cast %get3A_97 : vector<1x16xf32> to vector<16xf32>
          %add3A_99 = arith.addf %broadcast_in_dim3A_79, %get3A_98 : vector<16xf32>
          %add3A_100 = arith.constant 96 : i32
          %add3A_101 = arith.addi %add3A_100, %scan3A_77 : i32
          %get3A_102 = arith.index_cast %add3A_101 : i32 to index
          %get3A_103 = arith.constant 0 : index
          %get3A_104 = tpu.vector_load %arg10[%get3A_102, %get3A_103] {strides = array<i32>} : memref<1600x16xf32, #tpu.memory_space<vmem>>, vector<1x16xf32>,
          %get3A_105 = vector.shape_cast %get3A_104 : vector<1x16xf32> to vector<16xf32>
          %add3A_106 = arith.addf %broadcast_in_dim3A_79, %get3A_105 : vector<16xf32>
          %add3A_107 = arith.constant 128 : i32
          %add3A_108 = arith.addi %add3A_107, %scan3A_77 : i32
          %get3A_109 = arith.index_cast %add3A_108 : i32 to index
          %get3A_110 = arith.constant 0 : index
          %get3A_111 = tpu.vector_load %arg10[%get3A_109, %get3A_110] {strides = array<i32>} : memref<1600x16xf32, #tpu.memory_space<vmem>>, vector<1x16xf32>,
          %get3A_112 = vector.shape_cast %get3A_111 : vector<1x16xf32> to vector<16xf32>
          %add3A_113 = arith.addf %add3A_85, %get3A_112 : vector<16xf32>
          %add3A_114 = arith.constant 160 : i32
          %add3A_115 = arith.addi %add3A_114, %scan3A_77 : i32
          %get3A_116 = arith.index_cast %add3A_115 : i32 to index
          %get3A_117 = arith.constant 0 : index
          %get3A_118 = tpu.vector_load %arg10[%get3A_116, %get3A_117] {strides = array<i32>} : memref<1600x16xf32, #tpu.memory_space<vmem>>, vector<1x16xf32>,
          %get3A_119 = vector.shape_cast %get3A_118 : vector<1x16xf32> to vector<16xf32>
          %add3A_120 = arith.addf %add3A_92, %get3A_119 : vector<16xf32>
          %add3A_121 = arith.constant 192 : i32
          %add3A_122 = arith.addi %add3A_121, %scan3A_77 : i32
          %get3A_123 = arith.index_cast %add3A_122 : i32 to index
          %get3A_124 = arith.constant 0 : index
          %get3A_125 = tpu.vector_load %arg10[%get3A_123, %get3A_124] {strides = array<i32>} : memref<1600x16xf32, #tpu.memory_space<vmem>>, vector<1x16xf32>,
          %get3A_126 = vector.shape_cast %get3A_125 : vector<1x16xf32> to vector<16xf32>
          %add3A_127 = arith.addf %add3A_99, %get3A_126 : vector<16xf32>
          %add3A_128 = arith.constant 224 : i32
          %add3A_129 = arith.addi %add3A_128, %scan3A_77 : i32
          %get3A_130 = arith.index_cast %add3A_129 : i32 to index
          %get3A_131 = arith.constant 0 : index
          %get3A_132 = tpu.vector_load %arg10[%get3A_130, %get3A_131] {strides = array<i32>} : memref<1600x16xf32, #tpu.memory_space<vmem>>, vector<1x16xf32>,
          %get3A_133 = vector.shape_cast %get3A_132 : vector<1x16xf32> to vector<16xf32>
          %add3A_134 = arith.addf %add3A_106, %get3A_133 : vector<16xf32>
          %add3A_135 = arith.constant 256 : i32
          %add3A_136 = arith.addi %add3A_135, %scan3A_77 : i32
          %get3A_137 = arith.index_cast %add3A_136 : i32 to index
          %get3A_138 = arith.constant 0 : index
          %get3A_139 = tpu.vector_load %arg10[%get3A_137, %get3A_138] {strides = array<i32>} : memref<1600x16xf32, #tpu.memory_space<vmem>>, vector<1x16xf32>,
          %get3A_140 = vector.shape_cast %get3A_139 : vector<1x16xf32> to vector<16xf32>
          %add3A_141 = arith.addf %add3A_113, %get3A_140 : vector<16xf32>
          %add3A_142 = arith.constant 288 : i32
          %add3A_143 = arith.addi %add3A_142, %scan3A_77 : i32
          %get3A_144 = arith.index_cast %add3A_143 : i32 to index
          %get3A_145 = arith.constant 0 : index
          %get3A_146 = tpu.vector_load %arg10[%get3A_144, %get3A_145] {strides = array<i32>} : memref<1600x16xf32, #tpu.memory_space<vmem>>, vector<1x16xf32>,
          %get3A_147 = vector.shape_cast %get3A_146 : vector<1x16xf32> to vector<16xf32>
          %add3A_148 = arith.addf %add3A_120, %get3A_147 : vector<16xf32>
          %add3A_149 = arith.constant 320 : i32
          %add3A_150 = arith.addi %add3A_149, %scan3A_77 : i32
          %get3A_151 = arith.index_cast %add3A_150 : i32 to index
          %get3A_152 = arith.constant 0 : index
          %get3A_153 = tpu.vector_load %arg10[%get3A_151, %get3A_152] {strides = array<i32>} : memref<1600x16xf32, #tpu.memory_space<vmem>>, vector<1x16xf32>,
          %get3A_154 = vector.shape_cast %get3A_153 : vector<1x16xf32> to vector<16xf32>
          %add3A_155 = arith.addf %add3A_127, %get3A_154 : vector<16xf32>
          %add3A_156 = arith.constant 352 : i32
          %add3A_157 = arith.addi %add3A_156, %scan3A_77 : i32
          %get3A_158 = arith.index_cast %add3A_157 : i32 to index
          %get3A_159 = arith.constant 0 : index
          %get3A_160 = tpu.vector_load %arg10[%get3A_158, %get3A_159] {strides = array<i32>} : memref<1600x16xf32, #tpu.memory_space<vmem>>, vector<1x16xf32>,
          %get3A_161 = vector.shape_cast %get3A_160 : vector<1x16xf32> to vector<16xf32>
          %add3A_162 = arith.addf %add3A_134, %get3A_161 : vector<16xf32>
          %add3A_163 = arith.constant 384 : i32
          %add3A_164 = arith.addi %add3A_163, %scan3A_77 : i32
          %get3A_165 = arith.index_cast %add3A_164 : i32 to index
          %get3A_166 = arith.constant 0 : index
          %get3A_167 = tpu.vector_load %arg10[%get3A_165, %get3A_166] {strides = array<i32>} : memref<1600x16xf32, #tpu.memory_space<vmem>>, vector<1x16xf32>,
          %get3A_168 = vector.shape_cast %get3A_167 : vector<1x16xf32> to vector<16xf32>
          %add3A_169 = arith.addf %add3A_141, %get3A_168 : vector<16xf32>
          %add3A_170 = arith.constant 416 : i32
          %add3A_171 = arith.addi %add3A_170, %scan3A_77 : i32
          %get3A_172 = arith.index_cast %add3A_171 : i32 to index
          %get3A_173 = arith.constant 0 : index
          %get3A_174 = tpu.vector_load %arg10[%get3A_172, %get3A_173] {strides = array<i32>} : memref<1600x16xf32, #tpu.memory_space<vmem>>, vector<1x16xf32>,
          %get3A_175 = vector.shape_cast %get3A_174 : vector<1x16xf32> to vector<16xf32>
          %add3A_176 = arith.addf %add3A_148, %get3A_175 : vector<16xf32>
          %add3A_177 = arith.constant 448 : i32
          %add3A_178 = arith.addi %add3A_177, %scan3A_77 : i32
          %get3A_179 = arith.index_cast %add3A_178 : i32 to index
          %get3A_180 = arith.constant 0 : index
          %get3A_181 = tpu.vector_load %arg10[%get3A_179, %get3A_180] {strides = array<i32>} : memref<1600x16xf32, #tpu.memory_space<vmem>>, vector<1x16xf32>,
          %get3A_182 = vector.shape_cast %get3A_181 : vector<1x16xf32> to vector<16xf32>
          %add3A_183 = arith.addf %add3A_155, %get3A_182 : vector<16xf32>
          %add3A_184 = arith.constant 480 : i32
          %add3A_185 = arith.addi %add3A_184, %scan3A_77 : i32
          %get3A_186 = arith.index_cast %add3A_185 : i32 to index
          %get3A_187 = arith.constant 0 : index
          %get3A_188 = tpu.vector_load %arg10[%get3A_186, %get3A_187] {strides = array<i32>} : memref<1600x16xf32, #tpu.memory_space<vmem>>, vector<1x16xf32>,
          %get3A_189 = vector.shape_cast %get3A_188 : vector<1x16xf32> to vector<16xf32>
          %add3A_190 = arith.addf %add3A_162, %get3A_189 : vector<16xf32>
          %add3A_191 = arith.constant 512 : i32
          %add3A_192 = arith.addi %add3A_191, %scan3A_77 : i32
          %get3A_193 = arith.index_cast %add3A_192 : i32 to index
          %get3A_194 = arith.constant 0 : index
          %get3A_195 = tpu.vector_load %arg10[%get3A_193, %get3A_194] {strides = array<i32>} : memref<1600x16xf32, #tpu.memory_space<vmem>>, vector<1x16xf32>,
          %get3A_196 = vector.shape_cast %get3A_195 : vector<1x16xf32> to vector<16xf32>
          %add3A_197 = arith.addf %add3A_169, %get3A_196 : vector<16xf32>
          %add3A_198 = arith.constant 544 : i32
          %add3A_199 = arith.addi %add3A_198, %scan3A_77 : i32
          %get3A_200 = arith.index_cast %add3A_199 : i32 to index
          %get3A_201 = arith.constant 0 : index
          %get3A_202 = tpu.vector_load %arg10[%get3A_200, %get3A_201] {strides = array<i32>} : memref<1600x16xf32, #tpu.memory_space<vmem>>, vector<1x16xf32>,
          %get3A_203 = vector.shape_cast %get3A_202 : vector<1x16xf32> to vector<16xf32>
          %add3A_204 = arith.addf %add3A_176, %get3A_203 : vector<16xf32>
          %add3A_205 = arith.constant 576 : i32
          %add3A_206 = arith.addi %add3A_205, %scan3A_77 : i32
          %get3A_207 = arith.index_cast %add3A_206 : i32 to index
          %get3A_208 = arith.constant 0 : index
          %get3A_209 = tpu.vector_load %arg10[%get3A_207, %get3A_208] {strides = array<i32>} : memref<1600x16xf32, #tpu.memory_space<vmem>>, vector<1x16xf32>,
          %get3A_210 = vector.shape_cast %get3A_209 : vector<1x16xf32> to vector<16xf32>
          %add3A_211 = arith.addf %add3A_183, %get3A_210 : vector<16xf32>
          %add3A_212 = arith.constant 608 : i32
          %add3A_213 = arith.addi %add3A_212, %scan3A_77 : i32
          %get3A_214 = arith.index_cast %add3A_213 : i32 to index
          %get3A_215 = arith.constant 0 : index
          %get3A_216 = tpu.vector_load %arg10[%get3A_214, %get3A_215] {strides = array<i32>} : memref<1600x16xf32, #tpu.memory_space<vmem>>, vector<1x16xf32>,
          %get3A_217 = vector.shape_cast %get3A_216 : vector<1x16xf32> to vector<16xf32>
          %add3A_218 = arith.addf %add3A_190, %get3A_217 : vector<16xf32>
          %add3A_219 = arith.constant 640 : i32
          %add3A_220 = arith.addi %add3A_219, %scan3A_77 : i32
          %get3A_221 = arith.index_cast %add3A_220 : i32 to index
          %get3A_222 = arith.constant 0 : index
          %get3A_223 = tpu.vector_load %arg10[%get3A_221, %get3A_222] {strides = array<i32>} : memref<1600x16xf32, #tpu.memory_space<vmem>>, vector<1x16xf32>,
          %get3A_224 = vector.shape_cast %get3A_223 : vector<1x16xf32> to vector<16xf32>
          %add3A_225 = arith.addf %add3A_197, %get3A_224 : vector<16xf32>
          %add3A_226 = arith.constant 672 : i32
          %add3A_227 = arith.addi %add3A_226, %scan3A_77 : i32
          %get3A_228 = arith.index_cast %add3A_227 : i32 to index
          %get3A_229 = arith.constant 0 : index
          %get3A_230 = tpu.vector_load %arg10[%get3A_228, %get3A_229] {strides = array<i32>} : memref<1600x16xf32, #tpu.memory_space<vmem>>, vector<1x16xf32>,
          %get3A_231 = vector.shape_cast %get3A_230 : vector<1x16xf32> to vector<16xf32>
          %add3A_232 = arith.addf %add3A_204, %get3A_231 : vector<16xf32>
          %add3A_233 = arith.constant 704 : i32
          %add3A_234 = arith.addi %add3A_233, %scan3A_77 : i32
          %get3A_235 = arith.index_cast %add3A_234 : i32 to index
          %get3A_236 = arith.constant 0 : index
          %get3A_237 = tpu.vector_load %arg10[%get3A_235, %get3A_236] {strides = array<i32>} : memref<1600x16xf32, #tpu.memory_space<vmem>>, vector<1x16xf32>,
          %get3A_238 = vector.shape_cast %get3A_237 : vector<1x16xf32> to vector<16xf32>
          %add3A_239 = arith.addf %add3A_211, %get3A_238 : vector<16xf32>
          %add3A_240 = arith.constant 736 : i32
          %add3A_241 = arith.addi %add3A_240, %scan3A_77 : i32
          %get3A_242 = arith.index_cast %add3A_241 : i32 to index
          %get3A_243 = arith.constant 0 : index
          %get3A_244 = tpu.vector_load %arg10[%get3A_242, %get3A_243] {strides = array<i32>} : memref<1600x16xf32, #tpu.memory_space<vmem>>, vector<1x16xf32>,
          %get3A_245 = vector.shape_cast %get3A_244 : vector<1x16xf32> to vector<16xf32>
          %add3A_246 = arith.addf %add3A_218, %get3A_245 : vector<16xf32>
          %add3A_247 = arith.constant 768 : i32
          %add3A_248 = arith.addi %add3A_247, %scan3A_77 : i32
          %get3A_249 = arith.index_cast %add3A_248 : i32 to index
          %get3A_250 = arith.constant 0 : index
          %get3A_251 = tpu.vector_load %arg10[%get3A_249, %get3A_250] {strides = array<i32>} : memref<1600x16xf32, #tpu.memory_space<vmem>>, vector<1x16xf32>,
          %get3A_252 = vector.shape_cast %get3A_251 : vector<1x16xf32> to vector<16xf32>
          %add3A_253 = arith.addf %add3A_225, %get3A_252 : vector<16xf32>
          %add3A_254 = arith.constant 800 : i32
          %add3A_255 = arith.addi %add3A_254, %scan3A_77 : i32
          %get3A_256 = arith.index_cast %add3A_255 : i32 to index
          %get3A_257 = arith.constant 0 : index
          %get3A_258 = tpu.vector_load %arg10[%get3A_256, %get3A_257] {strides = array<i32>} : memref<1600x16xf32, #tpu.memory_space<vmem>>, vector<1x16xf32>,
          %get3A_259 = vector.shape_cast %get3A_258 : vector<1x16xf32> to vector<16xf32>
          %add3A_260 = arith.addf %add3A_232, %get3A_259 : vector<16xf32>
          %add3A_261 = arith.constant 832 : i32
          %add3A_262 = arith.addi %add3A_261, %scan3A_77 : i32
          %get3A_263 = arith.index_cast %add3A_262 : i32 to index
          %get3A_264 = arith.constant 0 : index
          %get3A_265 = tpu.vector_load %arg10[%get3A_263, %get3A_264] {strides = array<i32>} : memref<1600x16xf32, #tpu.memory_space<vmem>>, vector<1x16xf32>,
          %get3A_266 = vector.shape_cast %get3A_265 : vector<1x16xf32> to vector<16xf32>
          %add3A_267 = arith.addf %add3A_239, %get3A_266 : vector<16xf32>
          %add3A_268 = arith.constant 864 : i32
          %add3A_269 = arith.addi %add3A_268, %scan3A_77 : i32
          %get3A_270 = arith.index_cast %add3A_269 : i32 to index
          %get3A_271 = arith.constant 0 : index
          %get3A_272 = tpu.vector_load %arg10[%get3A_270, %get3A_271] {strides = array<i32>} : memref<1600x16xf32, #tpu.memory_space<vmem>>, vector<1x16xf32>,
          %get3A_273 = vector.shape_cast %get3A_272 : vector<1x16xf32> to vector<16xf32>
          %add3A_274 = arith.addf %add3A_246, %get3A_273 : vector<16xf32>
          %add3A_275 = arith.constant 896 : i32
          %add3A_276 = arith.addi %add3A_275, %scan3A_77 : i32
          %get3A_277 = arith.index_cast %add3A_276 : i32 to index
          %get3A_278 = arith.constant 0 : index
          %get3A_279 = tpu.vector_load %arg10[%get3A_277, %get3A_278] {strides = array<i32>} : memref<1600x16xf32, #tpu.memory_space<vmem>>, vector<1x16xf32>,
          %get3A_280 = vector.shape_cast %get3A_279 : vector<1x16xf32> to vector<16xf32>
          %add3A_281 = arith.addf %add3A_253, %get3A_280 : vector<16xf32>
          %add3A_282 = arith.constant 928 : i32
          %add3A_283 = arith.addi %add3A_282, %scan3A_77 : i32
          %get3A_284 = arith.index_cast %add3A_283 : i32 to index
          %get3A_285 = arith.constant 0 : index
          %get3A_286 = tpu.vector_load %arg10[%get3A_284, %get3A_285] {strides = array<i32>} : memref<1600x16xf32, #tpu.memory_space<vmem>>, vector<1x16xf32>,
          %get3A_287 = vector.shape_cast %get3A_286 : vector<1x16xf32> to vector<16xf32>
          %add3A_288 = arith.addf %add3A_260, %get3A_287 : vector<16xf32>
          %add3A_289 = arith.constant 960 : i32
          %add3A_290 = arith.addi %add3A_289, %scan3A_77 : i32
          %get3A_291 = arith.index_cast %add3A_290 : i32 to index
          %get3A_292 = arith.constant 0 : index
          %get3A_293 = tpu.vector_load %arg10[%get3A_291, %get3A_292] {strides = array<i32>} : memref<1600x16xf32, #tpu.memory_space<vmem>>, vector<1x16xf32>,
          %get3A_294 = vector.shape_cast %get3A_293 : vector<1x16xf32> to vector<16xf32>
          %add3A_295 = arith.addf %add3A_267, %get3A_294 : vector<16xf32>
          %add3A_296 = arith.constant 992 : i32
          %add3A_297 = arith.addi %add3A_296, %scan3A_77 : i32
          %get3A_298 = arith.index_cast %add3A_297 : i32 to index
          %get3A_299 = arith.constant 0 : index
          %get3A_300 = tpu.vector_load %arg10[%get3A_298, %get3A_299] {strides = array<i32>} : memref<1600x16xf32, #tpu.memory_space<vmem>>, vector<1x16xf32>,
          %get3A_301 = vector.shape_cast %get3A_300 : vector<1x16xf32> to vector<16xf32>
          %add3A_302 = arith.addf %add3A_274, %get3A_301 : vector<16xf32>
          %add3A_303 = arith.constant 1024 : i32
          %add3A_304 = arith.addi %add3A_303, %scan3A_77 : i32
          %get3A_305 = arith.index_cast %add3A_304 : i32 to index
          %get3A_306 = arith.constant 0 : index
          %get3A_307 = tpu.vector_load %arg10[%get3A_305, %get3A_306] {strides = array<i32>} : memref<1600x16xf32, #tpu.memory_space<vmem>>, vector<1x16xf32>,
          %get3A_308 = vector.shape_cast %get3A_307 : vector<1x16xf32> to vector<16xf32>
          %add3A_309 = arith.addf %add3A_281, %get3A_308 : vector<16xf32>
          %add3A_310 = arith.constant 1056 : i32
          %add3A_311 = arith.addi %add3A_310, %scan3A_77 : i32
          %get3A_312 = arith.index_cast %add3A_311 : i32 to index
          %get3A_313 = arith.constant 0 : index
          %get3A_314 = tpu.vector_load %arg10[%get3A_312, %get3A_313] {strides = array<i32>} : memref<1600x16xf32, #tpu.memory_space<vmem>>, vector<1x16xf32>,
          %get3A_315 = vector.shape_cast %get3A_314 : vector<1x16xf32> to vector<16xf32>
          %add3A_316 = arith.addf %add3A_288, %get3A_315 : vector<16xf32>
          %add3A_317 = arith.constant 1088 : i32
          %add3A_318 = arith.addi %add3A_317, %scan3A_77 : i32
          %get3A_319 = arith.index_cast %add3A_318 : i32 to index
          %get3A_320 = arith.constant 0 : index
          %get3A_321 = tpu.vector_load %arg10[%get3A_319, %get3A_320] {strides = array<i32>} : memref<1600x16xf32, #tpu.memory_space<vmem>>, vector<1x16xf32>,
          %get3A_322 = vector.shape_cast %get3A_321 : vector<1x16xf32> to vector<16xf32>
          %add3A_323 = arith.addf %add3A_295, %get3A_322 : vector<16xf32>
          %add3A_324 = arith.constant 1120 : i32
          %add3A_325 = arith.addi %add3A_324, %scan3A_77 : i32
          %get3A_326 = arith.index_cast %add3A_325 : i32 to index
          %get3A_327 = arith.constant 0 : index
          %get3A_328 = tpu.vector_load %arg10[%get3A_326, %get3A_327] {strides = array<i32>} : memref<1600x16xf32, #tpu.memory_space<vmem>>, vector<1x16xf32>,
          %get3A_329 = vector.shape_cast %get3A_328 : vector<1x16xf32> to vector<16xf32>
          %add3A_330 = arith.addf %add3A_302, %get3A_329 : vector<16xf32>
          %add3A_331 = arith.constant 1152 : i32
          %add3A_332 = arith.addi %add3A_331, %scan3A_77 : i32
          %get3A_333 = arith.index_cast %add3A_332 : i32 to index
          %get3A_334 = arith.constant 0 : index
          %get3A_335 = tpu.vector_load %arg10[%get3A_333, %get3A_334] {strides = array<i32>} : memref<1600x16xf32, #tpu.memory_space<vmem>>, vector<1x16xf32>,
          %get3A_336 = vector.shape_cast %get3A_335 : vector<1x16xf32> to vector<16xf32>
          %add3A_337 = arith.addf %add3A_309, %get3A_336 : vector<16xf32>
          %add3A_338 = arith.constant 1184 : i32
          %add3A_339 = arith.addi %add3A_338, %scan3A_77 : i32
          %get3A_340 = arith.index_cast %add3A_339 : i32 to index
          %get3A_341 = arith.constant 0 : index
          %get3A_342 = tpu.vector_load %arg10[%get3A_340, %get3A_341] {strides = array<i32>} : memref<1600x16xf32, #tpu.memory_space<vmem>>, vector<1x16xf32>,
          %get3A_343 = vector.shape_cast %get3A_342 : vector<1x16xf32> to vector<16xf32>
          %add3A_344 = arith.addf %add3A_316, %get3A_343 : vector<16xf32>
          %add3A_345 = arith.constant 1216 : i32
          %add3A_346 = arith.addi %add3A_345, %scan3A_77 : i32
          %get3A_347 = arith.index_cast %add3A_346 : i32 to index
          %get3A_348 = arith.constant 0 : index
          %get3A_349 = tpu.vector_load %arg10[%get3A_347, %get3A_348] {strides = array<i32>} : memref<1600x16xf32, #tpu.memory_space<vmem>>, vector<1x16xf32>,
          %get3A_350 = vector.shape_cast %get3A_349 : vector<1x16xf32> to vector<16xf32>
          %add3A_351 = arith.addf %add3A_323, %get3A_350 : vector<16xf32>
          %add3A_352 = arith.constant 1248 : i32
          %add3A_353 = arith.addi %add3A_352, %scan3A_77 : i32
          %get3A_354 = arith.index_cast %add3A_353 : i32 to index
          %get3A_355 = arith.constant 0 : index
          %get3A_356 = tpu.vector_load %arg10[%get3A_354, %get3A_355] {strides = array<i32>} : memref<1600x16xf32, #tpu.memory_space<vmem>>, vector<1x16xf32>,
          %get3A_357 = vector.shape_cast %get3A_356 : vector<1x16xf32> to vector<16xf32>
          %add3A_358 = arith.addf %add3A_330, %get3A_357 : vector<16xf32>
          %add3A_359 = arith.constant 1280 : i32
          %add3A_360 = arith.addi %add3A_359, %scan3A_77 : i32
          %get3A_361 = arith.index_cast %add3A_360 : i32 to index
          %get3A_362 = arith.constant 0 : index
          %get3A_363 = tpu.vector_load %arg10[%get3A_361, %get3A_362] {strides = array<i32>} : memref<1600x16xf32, #tpu.memory_space<vmem>>, vector<1x16xf32>,
          %get3A_364 = vector.shape_cast %get3A_363 : vector<1x16xf32> to vector<16xf32>
          %add3A_365 = arith.addf %add3A_337, %get3A_364 : vector<16xf32>
          %add3A_366 = arith.constant 1312 : i32
          %add3A_367 = arith.addi %add3A_366, %scan3A_77 : i32
          %get3A_368 = arith.index_cast %add3A_367 : i32 to index
          %get3A_369 = arith.constant 0 : index
          %get3A_370 = tpu.vector_load %arg10[%get3A_368, %get3A_369] {strides = array<i32>} : memref<1600x16xf32, #tpu.memory_space<vmem>>, vector<1x16xf32>,
          %get3A_371 = vector.shape_cast %get3A_370 : vector<1x16xf32> to vector<16xf32>
          %add3A_372 = arith.addf %add3A_344, %get3A_371 : vector<16xf32>
          %add3A_373 = arith.constant 1344 : i32
          %add3A_374 = arith.addi %add3A_373, %scan3A_77 : i32
          %get3A_375 = arith.index_cast %add3A_374 : i32 to index
          %get3A_376 = arith.constant 0 : index
          %get3A_377 = tpu.vector_load %arg10[%get3A_375, %get3A_376] {strides = array<i32>} : memref<1600x16xf32, #tpu.memory_space<vmem>>, vector<1x16xf32>,
          %get3A_378 = vector.shape_cast %get3A_377 : vector<1x16xf32> to vector<16xf32>
          %add3A_379 = arith.addf %add3A_351, %get3A_378 : vector<16xf32>
          %add3A_380 = arith.constant 1376 : i32
          %add3A_381 = arith.addi %add3A_380, %scan3A_77 : i32
          %get3A_382 = arith.index_cast %add3A_381 : i32 to index
          %get3A_383 = arith.constant 0 : index
          %get3A_384 = tpu.vector_load %arg10[%get3A_382, %get3A_383] {strides = array<i32>} : memref<1600x16xf32, #tpu.memory_space<vmem>>, vector<1x16xf32>,
          %get3A_385 = vector.shape_cast %get3A_384 : vector<1x16xf32> to vector<16xf32>
          %add3A_386 = arith.addf %add3A_358, %get3A_385 : vector<16xf32>
          %add3A_387 = arith.constant 1408 : i32
          %add3A_388 = arith.addi %add3A_387, %scan3A_77 : i32
          %get3A_389 = arith.index_cast %add3A_388 : i32 to index
          %get3A_390 = arith.constant 0 : index
          %get3A_391 = tpu.vector_load %arg10[%get3A_389, %get3A_390] {strides = array<i32>} : memref<1600x16xf32, #tpu.memory_space<vmem>>, vector<1x16xf32>,
          %get3A_392 = vector.shape_cast %get3A_391 : vector<1x16xf32> to vector<16xf32>
          %add3A_393 = arith.addf %add3A_365, %get3A_392 : vector<16xf32>
          %add3A_394 = arith.constant 1440 : i32
          %add3A_395 = arith.addi %add3A_394, %scan3A_77 : i32
          %get3A_396 = arith.index_cast %add3A_395 : i32 to index
          %get3A_397 = arith.constant 0 : index
          %get3A_398 = tpu.vector_load %arg10[%get3A_396, %get3A_397] {strides = array<i32>} : memref<1600x16xf32, #tpu.memory_space<vmem>>, vector<1x16xf32>,
          %get3A_399 = vector.shape_cast %get3A_398 : vector<1x16xf32> to vector<16xf32>
          %add3A_400 = arith.addf %add3A_372, %get3A_399 : vector<16xf32>
          %add3A_401 = arith.constant 1472 : i32
          %add3A_402 = arith.addi %add3A_401, %scan3A_77 : i32
          %get3A_403 = arith.index_cast %add3A_402 : i32 to index
          %get3A_404 = arith.constant 0 : index
          %get3A_405 = tpu.vector_load %arg10[%get3A_403, %get3A_404] {strides = array<i32>} : memref<1600x16xf32, #tpu.memory_space<vmem>>, vector<1x16xf32>,
          %get3A_406 = vector.shape_cast %get3A_405 : vector<1x16xf32> to vector<16xf32>
          %add3A_407 = arith.addf %add3A_379, %get3A_406 : vector<16xf32>
          %add3A_408 = arith.constant 1504 : i32
          %add3A_409 = arith.addi %add3A_408, %scan3A_77 : i32
          %get3A_410 = arith.index_cast %add3A_409 : i32 to index
          %get3A_411 = arith.constant 0 : index
          %get3A_412 = tpu.vector_load %arg10[%get3A_410, %get3A_411] {strides = array<i32>} : memref<1600x16xf32, #tpu.memory_space<vmem>>, vector<1x16xf32>,
          %get3A_413 = vector.shape_cast %get3A_412 : vector<1x16xf32> to vector<16xf32>
          %add3A_414 = arith.addf %add3A_386, %get3A_413 : vector<16xf32>
          %add3A_415 = arith.constant 1536 : i32
          %add3A_416 = arith.addi %add3A_415, %scan3A_77 : i32
          %get3A_417 = arith.index_cast %add3A_416 : i32 to index
          %get3A_418 = arith.constant 0 : index
          %get3A_419 = tpu.vector_load %arg10[%get3A_417, %get3A_418] {strides = array<i32>} : memref<1600x16xf32, #tpu.memory_space<vmem>>, vector<1x16xf32>,
          %get3A_420 = vector.shape_cast %get3A_419 : vector<1x16xf32> to vector<16xf32>
          %add3A_421 = arith.addf %add3A_393, %get3A_420 : vector<16xf32>
          %add3A_422 = arith.constant 1568 : i32
          %add3A_423 = arith.addi %add3A_422, %scan3A_77 : i32
          %get3A_424 = arith.index_cast %add3A_423 : i32 to index
          %get3A_425 = arith.constant 0 : index
          %get3A_426 = tpu.vector_load %arg10[%get3A_424, %get3A_425] {strides = array<i32>} : memref<1600x16xf32, #tpu.memory_space<vmem>>, vector<1x16xf32>,
          %get3A_427 = vector.shape_cast %get3A_426 : vector<1x16xf32> to vector<16xf32>
          %add3A_428 = arith.addf %add3A_400, %get3A_427 : vector<16xf32>
          %mul3A_429 = arith.constant 32 : i32
          %mul3A_430 = arith.muli %add3A_44, %mul3A_429 : i32
          %add3A_431 = arith.addi %mul3A_430, %scan3A_77 : i32
          %add3A_432 = arith.addf %add3A_421, %add3A_428 : vector<16xf32>
          %add3A_433 = arith.addf %add3A_407, %add3A_414 : vector<16xf32>
          %add3A_434 = arith.addf %add3A_432, %add3A_433 : vector<16xf32>
          %swap3A = arith.index_cast %add3A_431 : i32 to index
          %swap3A_435 = arith.constant 0 : index
          %swap3A_436 = tpu.vector_load %arg6[%swap3A, %swap3A_435] {strides = array<i32>} : memref<512x16xf32, #tpu.memory_space<vmem>>, vector<1x16xf32>,
          %swap3A_437 = vector.shape_cast %swap3A_436 : vector<1x16xf32> to vector<16xf32>
          %swap3A_438 = vector.shape_cast %add3A_434 : vector<16xf32> to vector<1x16xf32>
          tpu.vector_store %arg6[%swap3A, %swap3A_435], %swap3A_438 {strides = array<i32>} : memref<512x16xf32, #tpu.memory_space<vmem>>, vector<1x16xf32>,
          %scan3A_439 = arith.constant 0 : i32
          scf.yield %scan3A_439 : i32
        }
        %scan3A_69 = arith.constant 32 : i32
        %add3A_70 = arith.constant 3 : i32
        %add3A_71 = arith.addi %add3A_44, %add3A_70 : i32
        %lt3A_72 = arith.constant 16 : i32
        %lt3A_73 = arith.cmpi slt, %add3A_71, %lt3A_72 : i32
        %convert_element_type3A_74 = arith.extui %lt3A_73 : i1 to i32
        %cond3A_75 = arith.constant 0 : i32
        %cond3A_76 = arith.cmpi ne, %convert_element_type3A_74, %cond3A_75 : i32
        scf.if %cond3A_76 {
          %add3A_77 = arith.constant 3 : i32
          %add3A_78 = arith.addi %add3A_44, %add3A_77 : i32
          %scan3A_79 = arith.constant 0 : i32
          %scan3A_80 = arith.constant 0 : i32
          %scan3A_81 = arith.constant 50 : i32
          %scan3A_82 = arith.addi %scan3A_80, %scan3A_81 : i32
          %scan3A_83 = arith.constant 1 : i32
          %scan3A_84 = scf.for %scan3A_89 = %scan3A_80 to %scan3A_82 step %scan3A_83 iter_args(%scan3A_90 = %scan3A_79) -> (i32)  : i32 {
            %mul3A_91 = arith.constant 32 : i32
            %mul3A_92 = arith.muli %add3A_78, %mul3A_91 : i32
            %add3A_93 = arith.constant 0 : i32
            %add3A_94 = arith.addi %mul3A_92, %add3A_93 : i32
            %get3A = arith.index_cast %scan3A_89 : i32 to index
            %get3A_95 = arith.index_cast %add3A_94 : i32 to index
            %get3A_96 = tpu.vector_load %arg5[%get3A, %get3A_95] {strides = array<i32>} : memref<50x512xi32, #tpu.memory_space<vmem>>, vector<1x16xi32>,
            %get3A_97 = vector.shape_cast %get3A_96 : vector<1x16xi32> to vector<16xi32>
            %shift_right_arithmetic3A = arith.constant 15 : i32
            %shift_right_arithmetic3A_98 = vector.broadcast %shift_right_arithmetic3A : i32 to vector<16xi32>
            %shift_right_arithmetic3A_99 = arith.shrsi %get3A_97, %shift_right_arithmetic3A_98 : vector<16xi32>
            %shift_left3A = arith.constant 12 : i32
            %shift_left3A_100 = vector.broadcast %shift_left3A : i32 to vector<16xi32>
            %shift_left3A_101 = arith.shli %shift_right_arithmetic3A_99, %shift_left3A_100 : vector<16xi32>
            %and3A = arith.constant 4095 : i32
            %and3A_102 = vector.broadcast %and3A : i32 to vector<16xi32>
            %and3A_103 = arith.andi %get3A_97, %and3A_102 : vector<16xi32>
            %or3A = arith.ori %shift_left3A_101, %and3A_103 : vector<16xi32>
            %shift_left3A_104 = arith.constant 3 : i32
            %shift_left3A_105 = vector.broadcast %shift_left3A_104 : i32 to vector<16xi32>
            %shift_left3A_106 = arith.shli %or3A, %shift_left3A_105 : vector<16xi32>
            %shift_right_arithmetic3A_107 = arith.constant 12 : i32
            %shift_right_arithmetic3A_108 = vector.broadcast %shift_right_arithmetic3A_107 : i32 to vector<16xi32>
            %shift_right_arithmetic3A_109 = arith.shrsi %get3A_97, %shift_right_arithmetic3A_108 : vector<16xi32>
            %and3A_110 = arith.constant 7 : i32
            %and3A_111 = vector.broadcast %and3A_110 : i32 to vector<16xi32>
            %and3A_112 = arith.andi %shift_right_arithmetic3A_109, %and3A_111 : vector<16xi32>
            %or3A_113 = arith.ori %shift_left3A_106, %and3A_112 : vector<16xi32>
            %mul3A_114 = arith.constant 32 : i32
            %mul3A_115 = arith.muli %scan3A_89, %mul3A_114 : i32
            %add3A_116 = arith.constant 0 : i32
            %add3A_117 = arith.addi %mul3A_115, %add3A_116 : i32
            %swap3A = arith.index_cast %add3A_117 : i32 to index
            %swap3A_118 = tpu.vector_load %arg7[%swap3A] {strides = array<i32>} : memref<1600xi32, #tpu.memory_space<vmem>>, vector<16xi32>,
            %swap3A_119 = vector.shape_cast %swap3A_118 : vector<16xi32> to vector<16xi32>
            %swap3A_120 = vector.shape_cast %or3A_113 : vector<16xi32> to vector<16xi32>
            tpu.vector_store %arg7[%swap3A], %swap3A_120 {strides = array<i32>} : memref<1600xi32, #tpu.memory_space<vmem>>, vector<16xi32>,
            %mul3A_121 = arith.constant 32 : i32
            %mul3A_122 = arith.muli %add3A_78, %mul3A_121 : i32
            %add3A_123 = arith.constant 16 : i32
            %add3A_124 = arith.addi %mul3A_122, %add3A_123 : i32
            %get3A_125 = arith.index_cast %scan3A_89 : i32 to index
            %get3A_126 = arith.index_cast %add3A_124 : i32 to index
            %get3A_127 = tpu.vector_load %arg5[%get3A_125, %get3A_126] {strides = array<i32>} : memref<50x512xi32, #tpu.memory_space<vmem>>, vector<1x16xi32>,
            %get3A_128 = vector.shape_cast %get3A_127 : vector<1x16xi32> to vector<16xi32>
            %shift_right_arithmetic3A_129 = arith.constant 15 : i32
            %shift_right_arithmetic3A_130 = vector.broadcast %shift_right_arithmetic3A_129 : i32 to vector<16xi32>
            %shift_right_arithmetic3A_131 = arith.shrsi %get3A_128, %shift_right_arithmetic3A_130 : vector<16xi32>
            %shift_left3A_132 = arith.constant 12 : i32
            %shift_left3A_133 = vector.broadcast %shift_left3A_132 : i32 to vector<16xi32>
            %shift_left3A_134 = arith.shli %shift_right_arithmetic3A_131, %shift_left3A_133 : vector<16xi32>
            %and3A_135 = arith.constant 4095 : i32
            %and3A_136 = vector.broadcast %and3A_135 : i32 to vector<16xi32>
            %and3A_137 = arith.andi %get3A_128, %and3A_136 : vector<16xi32>
            %or3A_138 = arith.ori %shift_left3A_134, %and3A_137 : vector<16xi32>
            %shift_left3A_139 = arith.constant 3 : i32
            %shift_left3A_140 = vector.broadcast %shift_left3A_139 : i32 to vector<16xi32>
            %shift_left3A_141 = arith.shli %or3A_138, %shift_left3A_140 : vector<16xi32>
            %shift_right_arithmetic3A_142 = arith.constant 12 : i32
            %shift_right_arithmetic3A_143 = vector.broadcast %shift_right_arithmetic3A_142 : i32 to vector<16xi32>
            %shift_right_arithmetic3A_144 = arith.shrsi %get3A_128, %shift_right_arithmetic3A_143 : vector<16xi32>
            %and3A_145 = arith.constant 7 : i32
            %and3A_146 = vector.broadcast %and3A_145 : i32 to vector<16xi32>
            %and3A_147 = arith.andi %shift_right_arithmetic3A_144, %and3A_146 : vector<16xi32>
            %or3A_148 = arith.ori %shift_left3A_141, %and3A_147 : vector<16xi32>
            %mul3A_149 = arith.constant 32 : i32
            %mul3A_150 = arith.muli %scan3A_89, %mul3A_149 : i32
            %add3A_151 = arith.constant 16 : i32
            %add3A_152 = arith.addi %mul3A_150, %add3A_151 : i32
            %swap3A_153 = arith.index_cast %add3A_152 : i32 to index
            %swap3A_154 = tpu.vector_load %arg7[%swap3A_153] {strides = array<i32>} : memref<1600xi32, #tpu.memory_space<vmem>>, vector<16xi32>,
            %swap3A_155 = vector.shape_cast %swap3A_154 : vector<16xi32> to vector<16xi32>
            %swap3A_156 = vector.shape_cast %or3A_148 : vector<16xi32> to vector<16xi32>
            tpu.vector_store %arg7[%swap3A_153], %swap3A_156 {strides = array<i32>} : memref<1600xi32, #tpu.memory_space<vmem>>, vector<16xi32>,
            %scan3A_157 = arith.constant 0 : i32
            scf.yield %scan3A_157 : i32
          }
          %scan3A_85 = arith.constant 50 : i32
          %dma_start3A_86 = arith.constant 0 : i32
          %dma_start3A_87 = arith.constant 0 : i32
          %dma_start3A_88 = tpu.memref_slice %arg3[%dma_start3A_86, %dma_start3A_87] : memref<1015808x16xf32, #tpu.memory_space<hbm>> -> memref<1015808x16xf32, #tpu.memory_space<hbm>>
          tpu.enqueue_indirect_dma source(%dma_start3A_88 : memref<1015808x16xf32, #tpu.memory_space<hbm>>) target(%arg10 : memref<1600x16xf32, #tpu.memory_space<vmem>>) offsets(%arg7 : memref<1600xi32, #tpu.memory_space<vmem>>) semaphore(%arg13 : memref<!tpu.dma_semaphore, #tpu.memory_space<semaphore_mem>>)
        } else {
        }
      } else {
      }
      %add3A_47 = arith.constant 1 : i32
      %add3A_48 = arith.addi %add3A_42, %add3A_47 : i32
      %lt3A_49 = arith.constant 16 : i32
      %lt3A_50 = arith.cmpi slt, %add3A_48, %lt3A_49 : i32
      %convert_element_type3A_51 = arith.extui %lt3A_50 : i1 to i32
      %cond3A_52 = arith.constant 0 : i32
      %cond3A_53 = arith.cmpi ne, %convert_element_type3A_51, %cond3A_52 : i32
      scf.if %cond3A_53 {
        %dma_wait3A = arith.constant 0 : i32
        %dma_wait3A_61 = arith.constant 0 : i32
        %dma_wait3A_62 = tpu.memref_slice %arg3[%dma_wait3A, %dma_wait3A_61] : memref<1015808x16xf32, #tpu.memory_space<hbm>> -> memref<1015808x16xf32, #tpu.memory_space<hbm>>
        tpu.wait_indirect_dma semaphore(%arg14 : memref<!tpu.dma_semaphore, #tpu.memory_space<semaphore_mem>>) src(%dma_wait3A_62 : memref<1015808x16xf32, #tpu.memory_space<hbm>>) dst(%arg11 : memref<1600x16xf32, #tpu.memory_space<vmem>>)
        %scan3A_63 = arith.constant 0 : i32
        %scan3A_64 = arith.constant 0 : i32
        %scan3A_65 = arith.constant 32 : i32
        %scan3A_66 = arith.addi %scan3A_64, %scan3A_65 : i32
        %scan3A_67 = arith.constant 1 : i32
        %scan3A_68 = scf.for %scan3A_77 = %scan3A_64 to %scan3A_66 step %scan3A_67 iter_args(%scan3A_78 = %scan3A_63) -> (i32)  : i32 {
          %broadcast_in_dim3A = arith.constant 0.000000e+00 : f32
          %broadcast_in_dim3A_79 = vector.broadcast %broadcast_in_dim3A : f32 to vector<16xf32>
          %add3A_80 = arith.constant 0 : i32
          %add3A_81 = arith.addi %add3A_80, %scan3A_77 : i32
          %get3A = arith.index_cast %add3A_81 : i32 to index
          %get3A_82 = arith.constant 0 : index
          %get3A_83 = tpu.vector_load %arg11[%get3A, %get3A_82] {strides = array<i32>} : memref<1600x16xf32, #tpu.memory_space<vmem>>, vector<1x16xf32>,
          %get3A_84 = vector.shape_cast %get3A_83 : vector<1x16xf32> to vector<16xf32>
          %add3A_85 = arith.addf %broadcast_in_dim3A_79, %get3A_84 : vector<16xf32>
          %add3A_86 = arith.constant 32 : i32
          %add3A_87 = arith.addi %add3A_86, %scan3A_77 : i32
          %get3A_88 = arith.index_cast %add3A_87 : i32 to index
          %get3A_89 = arith.constant 0 : index
          %get3A_90 = tpu.vector_load %arg11[%get3A_88, %get3A_89] {strides = array<i32>} : memref<1600x16xf32, #tpu.memory_space<vmem>>, vector<1x16xf32>,
          %get3A_91 = vector.shape_cast %get3A_90 : vector<1x16xf32> to vector<16xf32>
          %add3A_92 = arith.addf %broadcast_in_dim3A_79, %get3A_91 : vector<16xf32>
          %add3A_93 = arith.constant 64 : i32
          %add3A_94 = arith.addi %add3A_93, %scan3A_77 : i32
          %get3A_95 = arith.index_cast %add3A_94 : i32 to index
          %get3A_96 = arith.constant 0 : index
          %get3A_97 = tpu.vector_load %arg11[%get3A_95, %get3A_96] {strides = array<i32>} : memref<1600x16xf32, #tpu.memory_space<vmem>>, vector<1x16xf32>,
          %get3A_98 = vector.shape_cast %get3A_97 : vector<1x16xf32> to vector<16xf32>
          %add3A_99 = arith.addf %broadcast_in_dim3A_79, %get3A_98 : vector<16xf32>
          %add3A_100 = arith.constant 96 : i32
          %add3A_101 = arith.addi %add3A_100, %scan3A_77 : i32
          %get3A_102 = arith.index_cast %add3A_101 : i32 to index
          %get3A_103 = arith.constant 0 : index
          %get3A_104 = tpu.vector_load %arg11[%get3A_102, %get3A_103] {strides = array<i32>} : memref<1600x16xf32, #tpu.memory_space<vmem>>, vector<1x16xf32>,
          %get3A_105 = vector.shape_cast %get3A_104 : vector<1x16xf32> to vector<16xf32>
          %add3A_106 = arith.addf %broadcast_in_dim3A_79, %get3A_105 : vector<16xf32>
          %add3A_107 = arith.constant 128 : i32
          %add3A_108 = arith.addi %add3A_107, %scan3A_77 : i32
          %get3A_109 = arith.index_cast %add3A_108 : i32 to index
          %get3A_110 = arith.constant 0 : index
          %get3A_111 = tpu.vector_load %arg11[%get3A_109, %get3A_110] {strides = array<i32>} : memref<1600x16xf32, #tpu.memory_space<vmem>>, vector<1x16xf32>,
          %get3A_112 = vector.shape_cast %get3A_111 : vector<1x16xf32> to vector<16xf32>
          %add3A_113 = arith.addf %add3A_85, %get3A_112 : vector<16xf32>
          %add3A_114 = arith.constant 160 : i32
          %add3A_115 = arith.addi %add3A_114, %scan3A_77 : i32
          %get3A_116 = arith.index_cast %add3A_115 : i32 to index
          %get3A_117 = arith.constant 0 : index
          %get3A_118 = tpu.vector_load %arg11[%get3A_116, %get3A_117] {strides = array<i32>} : memref<1600x16xf32, #tpu.memory_space<vmem>>, vector<1x16xf32>,
          %get3A_119 = vector.shape_cast %get3A_118 : vector<1x16xf32> to vector<16xf32>
          %add3A_120 = arith.addf %add3A_92, %get3A_119 : vector<16xf32>
          %add3A_121 = arith.constant 192 : i32
          %add3A_122 = arith.addi %add3A_121, %scan3A_77 : i32
          %get3A_123 = arith.index_cast %add3A_122 : i32 to index
          %get3A_124 = arith.constant 0 : index
          %get3A_125 = tpu.vector_load %arg11[%get3A_123, %get3A_124] {strides = array<i32>} : memref<1600x16xf32, #tpu.memory_space<vmem>>, vector<1x16xf32>,
          %get3A_126 = vector.shape_cast %get3A_125 : vector<1x16xf32> to vector<16xf32>
          %add3A_127 = arith.addf %add3A_99, %get3A_126 : vector<16xf32>
          %add3A_128 = arith.constant 224 : i32
          %add3A_129 = arith.addi %add3A_128, %scan3A_77 : i32
          %get3A_130 = arith.index_cast %add3A_129 : i32 to index
          %get3A_131 = arith.constant 0 : index
          %get3A_132 = tpu.vector_load %arg11[%get3A_130, %get3A_131] {strides = array<i32>} : memref<1600x16xf32, #tpu.memory_space<vmem>>, vector<1x16xf32>,
          %get3A_133 = vector.shape_cast %get3A_132 : vector<1x16xf32> to vector<16xf32>
          %add3A_134 = arith.addf %add3A_106, %get3A_133 : vector<16xf32>
          %add3A_135 = arith.constant 256 : i32
          %add3A_136 = arith.addi %add3A_135, %scan3A_77 : i32
          %get3A_137 = arith.index_cast %add3A_136 : i32 to index
          %get3A_138 = arith.constant 0 : index
          %get3A_139 = tpu.vector_load %arg11[%get3A_137, %get3A_138] {strides = array<i32>} : memref<1600x16xf32, #tpu.memory_space<vmem>>, vector<1x16xf32>,
          %get3A_140 = vector.shape_cast %get3A_139 : vector<1x16xf32> to vector<16xf32>
          %add3A_141 = arith.addf %add3A_113, %get3A_140 : vector<16xf32>
          %add3A_142 = arith.constant 288 : i32
          %add3A_143 = arith.addi %add3A_142, %scan3A_77 : i32
          %get3A_144 = arith.index_cast %add3A_143 : i32 to index
          %get3A_145 = arith.constant 0 : index
          %get3A_146 = tpu.vector_load %arg11[%get3A_144, %get3A_145] {strides = array<i32>} : memref<1600x16xf32, #tpu.memory_space<vmem>>, vector<1x16xf32>,
          %get3A_147 = vector.shape_cast %get3A_146 : vector<1x16xf32> to vector<16xf32>
          %add3A_148 = arith.addf %add3A_120, %get3A_147 : vector<16xf32>
          %add3A_149 = arith.constant 320 : i32
          %add3A_150 = arith.addi %add3A_149, %scan3A_77 : i32
          %get3A_151 = arith.index_cast %add3A_150 : i32 to index
          %get3A_152 = arith.constant 0 : index
          %get3A_153 = tpu.vector_load %arg11[%get3A_151, %get3A_152] {strides = array<i32>} : memref<1600x16xf32, #tpu.memory_space<vmem>>, vector<1x16xf32>,
          %get3A_154 = vector.shape_cast %get3A_153 : vector<1x16xf32> to vector<16xf32>
          %add3A_155 = arith.addf %add3A_127, %get3A_154 : vector<16xf32>
          %add3A_156 = arith.constant 352 : i32
          %add3A_157 = arith.addi %add3A_156, %scan3A_77 : i32
          %get3A_158 = arith.index_cast %add3A_157 : i32 to index
          %get3A_159 = arith.constant 0 : index
          %get3A_160 = tpu.vector_load %arg11[%get3A_158, %get3A_159] {strides = array<i32>} : memref<1600x16xf32, #tpu.memory_space<vmem>>, vector<1x16xf32>,
          %get3A_161 = vector.shape_cast %get3A_160 : vector<1x16xf32> to vector<16xf32>
          %add3A_162 = arith.addf %add3A_134, %get3A_161 : vector<16xf32>
          %add3A_163 = arith.constant 384 : i32
          %add3A_164 = arith.addi %add3A_163, %scan3A_77 : i32
          %get3A_165 = arith.index_cast %add3A_164 : i32 to index
          %get3A_166 = arith.constant 0 : index
          %get3A_167 = tpu.vector_load %arg11[%get3A_165, %get3A_166] {strides = array<i32>} : memref<1600x16xf32, #tpu.memory_space<vmem>>, vector<1x16xf32>,
          %get3A_168 = vector.shape_cast %get3A_167 : vector<1x16xf32> to vector<16xf32>
          %add3A_169 = arith.addf %add3A_141, %get3A_168 : vector<16xf32>
          %add3A_170 = arith.constant 416 : i32
          %add3A_171 = arith.addi %add3A_170, %scan3A_77 : i32
          %get3A_172 = arith.index_cast %add3A_171 : i32 to index
          %get3A_173 = arith.constant 0 : index
          %get3A_174 = tpu.vector_load %arg11[%get3A_172, %get3A_173] {strides = array<i32>} : memref<1600x16xf32, #tpu.memory_space<vmem>>, vector<1x16xf32>,
          %get3A_175 = vector.shape_cast %get3A_174 : vector<1x16xf32> to vector<16xf32>
          %add3A_176 = arith.addf %add3A_148, %get3A_175 : vector<16xf32>
          %add3A_177 = arith.constant 448 : i32
          %add3A_178 = arith.addi %add3A_177, %scan3A_77 : i32
          %get3A_179 = arith.index_cast %add3A_178 : i32 to index
          %get3A_180 = arith.constant 0 : index
          %get3A_181 = tpu.vector_load %arg11[%get3A_179, %get3A_180] {strides = array<i32>} : memref<1600x16xf32, #tpu.memory_space<vmem>>, vector<1x16xf32>,
          %get3A_182 = vector.shape_cast %get3A_181 : vector<1x16xf32> to vector<16xf32>
          %add3A_183 = arith.addf %add3A_155, %get3A_182 : vector<16xf32>
          %add3A_184 = arith.constant 480 : i32
          %add3A_185 = arith.addi %add3A_184, %scan3A_77 : i32
          %get3A_186 = arith.index_cast %add3A_185 : i32 to index
          %get3A_187 = arith.constant 0 : index
          %get3A_188 = tpu.vector_load %arg11[%get3A_186, %get3A_187] {strides = array<i32>} : memref<1600x16xf32, #tpu.memory_space<vmem>>, vector<1x16xf32>,
          %get3A_189 = vector.shape_cast %get3A_188 : vector<1x16xf32> to vector<16xf32>
          %add3A_190 = arith.addf %add3A_162, %get3A_189 : vector<16xf32>
          %add3A_191 = arith.constant 512 : i32
          %add3A_192 = arith.addi %add3A_191, %scan3A_77 : i32
          %get3A_193 = arith.index_cast %add3A_192 : i32 to index
          %get3A_194 = arith.constant 0 : index
          %get3A_195 = tpu.vector_load %arg11[%get3A_193, %get3A_194] {strides = array<i32>} : memref<1600x16xf32, #tpu.memory_space<vmem>>, vector<1x16xf32>,
          %get3A_196 = vector.shape_cast %get3A_195 : vector<1x16xf32> to vector<16xf32>
          %add3A_197 = arith.addf %add3A_169, %get3A_196 : vector<16xf32>
          %add3A_198 = arith.constant 544 : i32
          %add3A_199 = arith.addi %add3A_198, %scan3A_77 : i32
          %get3A_200 = arith.index_cast %add3A_199 : i32 to index
          %get3A_201 = arith.constant 0 : index
          %get3A_202 = tpu.vector_load %arg11[%get3A_200, %get3A_201] {strides = array<i32>} : memref<1600x16xf32, #tpu.memory_space<vmem>>, vector<1x16xf32>,
          %get3A_203 = vector.shape_cast %get3A_202 : vector<1x16xf32> to vector<16xf32>
          %add3A_204 = arith.addf %add3A_176, %get3A_203 : vector<16xf32>
          %add3A_205 = arith.constant 576 : i32
          %add3A_206 = arith.addi %add3A_205, %scan3A_77 : i32
          %get3A_207 = arith.index_cast %add3A_206 : i32 to index
          %get3A_208 = arith.constant 0 : index
          %get3A_209 = tpu.vector_load %arg11[%get3A_207, %get3A_208] {strides = array<i32>} : memref<1600x16xf32, #tpu.memory_space<vmem>>, vector<1x16xf32>,
          %get3A_210 = vector.shape_cast %get3A_209 : vector<1x16xf32> to vector<16xf32>
          %add3A_211 = arith.addf %add3A_183, %get3A_210 : vector<16xf32>
          %add3A_212 = arith.constant 608 : i32
          %add3A_213 = arith.addi %add3A_212, %scan3A_77 : i32
          %get3A_214 = arith.index_cast %add3A_213 : i32 to index
          %get3A_215 = arith.constant 0 : index
          %get3A_216 = tpu.vector_load %arg11[%get3A_214, %get3A_215] {strides = array<i32>} : memref<1600x16xf32, #tpu.memory_space<vmem>>, vector<1x16xf32>,
          %get3A_217 = vector.shape_cast %get3A_216 : vector<1x16xf32> to vector<16xf32>
          %add3A_218 = arith.addf %add3A_190, %get3A_217 : vector<16xf32>
          %add3A_219 = arith.constant 640 : i32
          %add3A_220 = arith.addi %add3A_219, %scan3A_77 : i32
          %get3A_221 = arith.index_cast %add3A_220 : i32 to index
          %get3A_222 = arith.constant 0 : index
          %get3A_223 = tpu.vector_load %arg11[%get3A_221, %get3A_222] {strides = array<i32>} : memref<1600x16xf32, #tpu.memory_space<vmem>>, vector<1x16xf32>,
          %get3A_224 = vector.shape_cast %get3A_223 : vector<1x16xf32> to vector<16xf32>
          %add3A_225 = arith.addf %add3A_197, %get3A_224 : vector<16xf32>
          %add3A_226 = arith.constant 672 : i32
          %add3A_227 = arith.addi %add3A_226, %scan3A_77 : i32
          %get3A_228 = arith.index_cast %add3A_227 : i32 to index
          %get3A_229 = arith.constant 0 : index
          %get3A_230 = tpu.vector_load %arg11[%get3A_228, %get3A_229] {strides = array<i32>} : memref<1600x16xf32, #tpu.memory_space<vmem>>, vector<1x16xf32>,
          %get3A_231 = vector.shape_cast %get3A_230 : vector<1x16xf32> to vector<16xf32>
          %add3A_232 = arith.addf %add3A_204, %get3A_231 : vector<16xf32>
          %add3A_233 = arith.constant 704 : i32
          %add3A_234 = arith.addi %add3A_233, %scan3A_77 : i32
          %get3A_235 = arith.index_cast %add3A_234 : i32 to index
          %get3A_236 = arith.constant 0 : index
          %get3A_237 = tpu.vector_load %arg11[%get3A_235, %get3A_236] {strides = array<i32>} : memref<1600x16xf32, #tpu.memory_space<vmem>>, vector<1x16xf32>,
          %get3A_238 = vector.shape_cast %get3A_237 : vector<1x16xf32> to vector<16xf32>
          %add3A_239 = arith.addf %add3A_211, %get3A_238 : vector<16xf32>
          %add3A_240 = arith.constant 736 : i32
          %add3A_241 = arith.addi %add3A_240, %scan3A_77 : i32
          %get3A_242 = arith.index_cast %add3A_241 : i32 to index
          %get3A_243 = arith.constant 0 : index
          %get3A_244 = tpu.vector_load %arg11[%get3A_242, %get3A_243] {strides = array<i32>} : memref<1600x16xf32, #tpu.memory_space<vmem>>, vector<1x16xf32>,
          %get3A_245 = vector.shape_cast %get3A_244 : vector<1x16xf32> to vector<16xf32>
          %add3A_246 = arith.addf %add3A_218, %get3A_245 : vector<16xf32>
          %add3A_247 = arith.constant 768 : i32
          %add3A_248 = arith.addi %add3A_247, %scan3A_77 : i32
          %get3A_249 = arith.index_cast %add3A_248 : i32 to index
          %get3A_250 = arith.constant 0 : index
          %get3A_251 = tpu.vector_load %arg11[%get3A_249, %get3A_250] {strides = array<i32>} : memref<1600x16xf32, #tpu.memory_space<vmem>>, vector<1x16xf32>,
          %get3A_252 = vector.shape_cast %get3A_251 : vector<1x16xf32> to vector<16xf32>
          %add3A_253 = arith.addf %add3A_225, %get3A_252 : vector<16xf32>
          %add3A_254 = arith.constant 800 : i32
          %add3A_255 = arith.addi %add3A_254, %scan3A_77 : i32
          %get3A_256 = arith.index_cast %add3A_255 : i32 to index
          %get3A_257 = arith.constant 0 : index
          %get3A_258 = tpu.vector_load %arg11[%get3A_256, %get3A_257] {strides = array<i32>} : memref<1600x16xf32, #tpu.memory_space<vmem>>, vector<1x16xf32>,
          %get3A_259 = vector.shape_cast %get3A_258 : vector<1x16xf32> to vector<16xf32>
          %add3A_260 = arith.addf %add3A_232, %get3A_259 : vector<16xf32>
          %add3A_261 = arith.constant 832 : i32
          %add3A_262 = arith.addi %add3A_261, %scan3A_77 : i32
          %get3A_263 = arith.index_cast %add3A_262 : i32 to index
          %get3A_264 = arith.constant 0 : index
          %get3A_265 = tpu.vector_load %arg11[%get3A_263, %get3A_264] {strides = array<i32>} : memref<1600x16xf32, #tpu.memory_space<vmem>>, vector<1x16xf32>,
          %get3A_266 = vector.shape_cast %get3A_265 : vector<1x16xf32> to vector<16xf32>
          %add3A_267 = arith.addf %add3A_239, %get3A_266 : vector<16xf32>
          %add3A_268 = arith.constant 864 : i32
          %add3A_269 = arith.addi %add3A_268, %scan3A_77 : i32
          %get3A_270 = arith.index_cast %add3A_269 : i32 to index
          %get3A_271 = arith.constant 0 : index
          %get3A_272 = tpu.vector_load %arg11[%get3A_270, %get3A_271] {strides = array<i32>} : memref<1600x16xf32, #tpu.memory_space<vmem>>, vector<1x16xf32>,
          %get3A_273 = vector.shape_cast %get3A_272 : vector<1x16xf32> to vector<16xf32>
          %add3A_274 = arith.addf %add3A_246, %get3A_273 : vector<16xf32>
          %add3A_275 = arith.constant 896 : i32
          %add3A_276 = arith.addi %add3A_275, %scan3A_77 : i32
          %get3A_277 = arith.index_cast %add3A_276 : i32 to index
          %get3A_278 = arith.constant 0 : index
          %get3A_279 = tpu.vector_load %arg11[%get3A_277, %get3A_278] {strides = array<i32>} : memref<1600x16xf32, #tpu.memory_space<vmem>>, vector<1x16xf32>,
          %get3A_280 = vector.shape_cast %get3A_279 : vector<1x16xf32> to vector<16xf32>
          %add3A_281 = arith.addf %add3A_253, %get3A_280 : vector<16xf32>
          %add3A_282 = arith.constant 928 : i32
          %add3A_283 = arith.addi %add3A_282, %scan3A_77 : i32
          %get3A_284 = arith.index_cast %add3A_283 : i32 to index
          %get3A_285 = arith.constant 0 : index
          %get3A_286 = tpu.vector_load %arg11[%get3A_284, %get3A_285] {strides = array<i32>} : memref<1600x16xf32, #tpu.memory_space<vmem>>, vector<1x16xf32>,
          %get3A_287 = vector.shape_cast %get3A_286 : vector<1x16xf32> to vector<16xf32>
          %add3A_288 = arith.addf %add3A_260, %get3A_287 : vector<16xf32>
          %add3A_289 = arith.constant 960 : i32
          %add3A_290 = arith.addi %add3A_289, %scan3A_77 : i32
          %get3A_291 = arith.index_cast %add3A_290 : i32 to index
          %get3A_292 = arith.constant 0 : index
          %get3A_293 = tpu.vector_load %arg11[%get3A_291, %get3A_292] {strides = array<i32>} : memref<1600x16xf32, #tpu.memory_space<vmem>>, vector<1x16xf32>,
          %get3A_294 = vector.shape_cast %get3A_293 : vector<1x16xf32> to vector<16xf32>
          %add3A_295 = arith.addf %add3A_267, %get3A_294 : vector<16xf32>
          %add3A_296 = arith.constant 992 : i32
          %add3A_297 = arith.addi %add3A_296, %scan3A_77 : i32
          %get3A_298 = arith.index_cast %add3A_297 : i32 to index
          %get3A_299 = arith.constant 0 : index
          %get3A_300 = tpu.vector_load %arg11[%get3A_298, %get3A_299] {strides = array<i32>} : memref<1600x16xf32, #tpu.memory_space<vmem>>, vector<1x16xf32>,
          %get3A_301 = vector.shape_cast %get3A_300 : vector<1x16xf32> to vector<16xf32>
          %add3A_302 = arith.addf %add3A_274, %get3A_301 : vector<16xf32>
          %add3A_303 = arith.constant 1024 : i32
          %add3A_304 = arith.addi %add3A_303, %scan3A_77 : i32
          %get3A_305 = arith.index_cast %add3A_304 : i32 to index
          %get3A_306 = arith.constant 0 : index
          %get3A_307 = tpu.vector_load %arg11[%get3A_305, %get3A_306] {strides = array<i32>} : memref<1600x16xf32, #tpu.memory_space<vmem>>, vector<1x16xf32>,
          %get3A_308 = vector.shape_cast %get3A_307 : vector<1x16xf32> to vector<16xf32>
          %add3A_309 = arith.addf %add3A_281, %get3A_308 : vector<16xf32>
          %add3A_310 = arith.constant 1056 : i32
          %add3A_311 = arith.addi %add3A_310, %scan3A_77 : i32
          %get3A_312 = arith.index_cast %add3A_311 : i32 to index
          %get3A_313 = arith.constant 0 : index
          %get3A_314 = tpu.vector_load %arg11[%get3A_312, %get3A_313] {strides = array<i32>} : memref<1600x16xf32, #tpu.memory_space<vmem>>, vector<1x16xf32>,
          %get3A_315 = vector.shape_cast %get3A_314 : vector<1x16xf32> to vector<16xf32>
          %add3A_316 = arith.addf %add3A_288, %get3A_315 : vector<16xf32>
          %add3A_317 = arith.constant 1088 : i32
          %add3A_318 = arith.addi %add3A_317, %scan3A_77 : i32
          %get3A_319 = arith.index_cast %add3A_318 : i32 to index
          %get3A_320 = arith.constant 0 : index
          %get3A_321 = tpu.vector_load %arg11[%get3A_319, %get3A_320] {strides = array<i32>} : memref<1600x16xf32, #tpu.memory_space<vmem>>, vector<1x16xf32>,
          %get3A_322 = vector.shape_cast %get3A_321 : vector<1x16xf32> to vector<16xf32>
          %add3A_323 = arith.addf %add3A_295, %get3A_322 : vector<16xf32>
          %add3A_324 = arith.constant 1120 : i32
          %add3A_325 = arith.addi %add3A_324, %scan3A_77 : i32
          %get3A_326 = arith.index_cast %add3A_325 : i32 to index
          %get3A_327 = arith.constant 0 : index
          %get3A_328 = tpu.vector_load %arg11[%get3A_326, %get3A_327] {strides = array<i32>} : memref<1600x16xf32, #tpu.memory_space<vmem>>, vector<1x16xf32>,
          %get3A_329 = vector.shape_cast %get3A_328 : vector<1x16xf32> to vector<16xf32>
          %add3A_330 = arith.addf %add3A_302, %get3A_329 : vector<16xf32>
          %add3A_331 = arith.constant 1152 : i32
          %add3A_332 = arith.addi %add3A_331, %scan3A_77 : i32
          %get3A_333 = arith.index_cast %add3A_332 : i32 to index
          %get3A_334 = arith.constant 0 : index
          %get3A_335 = tpu.vector_load %arg11[%get3A_333, %get3A_334] {strides = array<i32>} : memref<1600x16xf32, #tpu.memory_space<vmem>>, vector<1x16xf32>,
          %get3A_336 = vector.shape_cast %get3A_335 : vector<1x16xf32> to vector<16xf32>
          %add3A_337 = arith.addf %add3A_309, %get3A_336 : vector<16xf32>
          %add3A_338 = arith.constant 1184 : i32
          %add3A_339 = arith.addi %add3A_338, %scan3A_77 : i32
          %get3A_340 = arith.index_cast %add3A_339 : i32 to index
          %get3A_341 = arith.constant 0 : index
          %get3A_342 = tpu.vector_load %arg11[%get3A_340, %get3A_341] {strides = array<i32>} : memref<1600x16xf32, #tpu.memory_space<vmem>>, vector<1x16xf32>,
          %get3A_343 = vector.shape_cast %get3A_342 : vector<1x16xf32> to vector<16xf32>
          %add3A_344 = arith.addf %add3A_316, %get3A_343 : vector<16xf32>
          %add3A_345 = arith.constant 1216 : i32
          %add3A_346 = arith.addi %add3A_345, %scan3A_77 : i32
          %get3A_347 = arith.index_cast %add3A_346 : i32 to index
          %get3A_348 = arith.constant 0 : index
          %get3A_349 = tpu.vector_load %arg11[%get3A_347, %get3A_348] {strides = array<i32>} : memref<1600x16xf32, #tpu.memory_space<vmem>>, vector<1x16xf32>,
          %get3A_350 = vector.shape_cast %get3A_349 : vector<1x16xf32> to vector<16xf32>
          %add3A_351 = arith.addf %add3A_323, %get3A_350 : vector<16xf32>
          %add3A_352 = arith.constant 1248 : i32
          %add3A_353 = arith.addi %add3A_352, %scan3A_77 : i32
          %get3A_354 = arith.index_cast %add3A_353 : i32 to index
          %get3A_355 = arith.constant 0 : index
          %get3A_356 = tpu.vector_load %arg11[%get3A_354, %get3A_355] {strides = array<i32>} : memref<1600x16xf32, #tpu.memory_space<vmem>>, vector<1x16xf32>,
          %get3A_357 = vector.shape_cast %get3A_356 : vector<1x16xf32> to vector<16xf32>
          %add3A_358 = arith.addf %add3A_330, %get3A_357 : vector<16xf32>
          %add3A_359 = arith.constant 1280 : i32
          %add3A_360 = arith.addi %add3A_359, %scan3A_77 : i32
          %get3A_361 = arith.index_cast %add3A_360 : i32 to index
          %get3A_362 = arith.constant 0 : index
          %get3A_363 = tpu.vector_load %arg11[%get3A_361, %get3A_362] {strides = array<i32>} : memref<1600x16xf32, #tpu.memory_space<vmem>>, vector<1x16xf32>,
          %get3A_364 = vector.shape_cast %get3A_363 : vector<1x16xf32> to vector<16xf32>
          %add3A_365 = arith.addf %add3A_337, %get3A_364 : vector<16xf32>
          %add3A_366 = arith.constant 1312 : i32
          %add3A_367 = arith.addi %add3A_366, %scan3A_77 : i32
          %get3A_368 = arith.index_cast %add3A_367 : i32 to index
          %get3A_369 = arith.constant 0 : index
          %get3A_370 = tpu.vector_load %arg11[%get3A_368, %get3A_369] {strides = array<i32>} : memref<1600x16xf32, #tpu.memory_space<vmem>>, vector<1x16xf32>,
          %get3A_371 = vector.shape_cast %get3A_370 : vector<1x16xf32> to vector<16xf32>
          %add3A_372 = arith.addf %add3A_344, %get3A_371 : vector<16xf32>
          %add3A_373 = arith.constant 1344 : i32
          %add3A_374 = arith.addi %add3A_373, %scan3A_77 : i32
          %get3A_375 = arith.index_cast %add3A_374 : i32 to index
          %get3A_376 = arith.constant 0 : index
          %get3A_377 = tpu.vector_load %arg11[%get3A_375, %get3A_376] {strides = array<i32>} : memref<1600x16xf32, #tpu.memory_space<vmem>>, vector<1x16xf32>,
          %get3A_378 = vector.shape_cast %get3A_377 : vector<1x16xf32> to vector<16xf32>
          %add3A_379 = arith.addf %add3A_351, %get3A_378 : vector<16xf32>
          %add3A_380 = arith.constant 1376 : i32
          %add3A_381 = arith.addi %add3A_380, %scan3A_77 : i32
          %get3A_382 = arith.index_cast %add3A_381 : i32 to index
          %get3A_383 = arith.constant 0 : index
          %get3A_384 = tpu.vector_load %arg11[%get3A_382, %get3A_383] {strides = array<i32>} : memref<1600x16xf32, #tpu.memory_space<vmem>>, vector<1x16xf32>,
          %get3A_385 = vector.shape_cast %get3A_384 : vector<1x16xf32> to vector<16xf32>
          %add3A_386 = arith.addf %add3A_358, %get3A_385 : vector<16xf32>
          %add3A_387 = arith.constant 1408 : i32
          %add3A_388 = arith.addi %add3A_387, %scan3A_77 : i32
          %get3A_389 = arith.index_cast %add3A_388 : i32 to index
          %get3A_390 = arith.constant 0 : index
          %get3A_391 = tpu.vector_load %arg11[%get3A_389, %get3A_390] {strides = array<i32>} : memref<1600x16xf32, #tpu.memory_space<vmem>>, vector<1x16xf32>,
          %get3A_392 = vector.shape_cast %get3A_391 : vector<1x16xf32> to vector<16xf32>
          %add3A_393 = arith.addf %add3A_365, %get3A_392 : vector<16xf32>
          %add3A_394 = arith.constant 1440 : i32
          %add3A_395 = arith.addi %add3A_394, %scan3A_77 : i32
          %get3A_396 = arith.index_cast %add3A_395 : i32 to index
          %get3A_397 = arith.constant 0 : index
          %get3A_398 = tpu.vector_load %arg11[%get3A_396, %get3A_397] {strides = array<i32>} : memref<1600x16xf32, #tpu.memory_space<vmem>>, vector<1x16xf32>,
          %get3A_399 = vector.shape_cast %get3A_398 : vector<1x16xf32> to vector<16xf32>
          %add3A_400 = arith.addf %add3A_372, %get3A_399 : vector<16xf32>
          %add3A_401 = arith.constant 1472 : i32
          %add3A_402 = arith.addi %add3A_401, %scan3A_77 : i32
          %get3A_403 = arith.index_cast %add3A_402 : i32 to index
          %get3A_404 = arith.constant 0 : index
          %get3A_405 = tpu.vector_load %arg11[%get3A_403, %get3A_404] {strides = array<i32>} : memref<1600x16xf32, #tpu.memory_space<vmem>>, vector<1x16xf32>,
          %get3A_406 = vector.shape_cast %get3A_405 : vector<1x16xf32> to vector<16xf32>
          %add3A_407 = arith.addf %add3A_379, %get3A_406 : vector<16xf32>
          %add3A_408 = arith.constant 1504 : i32
          %add3A_409 = arith.addi %add3A_408, %scan3A_77 : i32
          %get3A_410 = arith.index_cast %add3A_409 : i32 to index
          %get3A_411 = arith.constant 0 : index
          %get3A_412 = tpu.vector_load %arg11[%get3A_410, %get3A_411] {strides = array<i32>} : memref<1600x16xf32, #tpu.memory_space<vmem>>, vector<1x16xf32>,
          %get3A_413 = vector.shape_cast %get3A_412 : vector<1x16xf32> to vector<16xf32>
          %add3A_414 = arith.addf %add3A_386, %get3A_413 : vector<16xf32>
          %add3A_415 = arith.constant 1536 : i32
          %add3A_416 = arith.addi %add3A_415, %scan3A_77 : i32
          %get3A_417 = arith.index_cast %add3A_416 : i32 to index
          %get3A_418 = arith.constant 0 : index
          %get3A_419 = tpu.vector_load %arg11[%get3A_417, %get3A_418] {strides = array<i32>} : memref<1600x16xf32, #tpu.memory_space<vmem>>, vector<1x16xf32>,
          %get3A_420 = vector.shape_cast %get3A_419 : vector<1x16xf32> to vector<16xf32>
          %add3A_421 = arith.addf %add3A_393, %get3A_420 : vector<16xf32>
          %add3A_422 = arith.constant 1568 : i32
          %add3A_423 = arith.addi %add3A_422, %scan3A_77 : i32
          %get3A_424 = arith.index_cast %add3A_423 : i32 to index
          %get3A_425 = arith.constant 0 : index
          %get3A_426 = tpu.vector_load %arg11[%get3A_424, %get3A_425] {strides = array<i32>} : memref<1600x16xf32, #tpu.memory_space<vmem>>, vector<1x16xf32>,
          %get3A_427 = vector.shape_cast %get3A_426 : vector<1x16xf32> to vector<16xf32>
          %add3A_428 = arith.addf %add3A_400, %get3A_427 : vector<16xf32>
          %mul3A_429 = arith.constant 32 : i32
          %mul3A_430 = arith.muli %add3A_48, %mul3A_429 : i32
          %add3A_431 = arith.addi %mul3A_430, %scan3A_77 : i32
          %add3A_432 = arith.addf %add3A_421, %add3A_428 : vector<16xf32>
          %add3A_433 = arith.addf %add3A_407, %add3A_414 : vector<16xf32>
          %add3A_434 = arith.addf %add3A_432, %add3A_433 : vector<16xf32>
          %swap3A = arith.index_cast %add3A_431 : i32 to index
          %swap3A_435 = arith.constant 0 : index
          %swap3A_436 = tpu.vector_load %arg6[%swap3A, %swap3A_435] {strides = array<i32>} : memref<512x16xf32, #tpu.memory_space<vmem>>, vector<1x16xf32>,
          %swap3A_437 = vector.shape_cast %swap3A_436 : vector<1x16xf32> to vector<16xf32>
          %swap3A_438 = vector.shape_cast %add3A_434 : vector<16xf32> to vector<1x16xf32>
          tpu.vector_store %arg6[%swap3A, %swap3A_435], %swap3A_438 {strides = array<i32>} : memref<512x16xf32, #tpu.memory_space<vmem>>, vector<1x16xf32>,
          %scan3A_439 = arith.constant 0 : i32
          scf.yield %scan3A_439 : i32
        }
        %scan3A_69 = arith.constant 32 : i32
        %add3A_70 = arith.constant 3 : i32
        %add3A_71 = arith.addi %add3A_48, %add3A_70 : i32
        %lt3A_72 = arith.constant 16 : i32
        %lt3A_73 = arith.cmpi slt, %add3A_71, %lt3A_72 : i32
        %convert_element_type3A_74 = arith.extui %lt3A_73 : i1 to i32
        %cond3A_75 = arith.constant 0 : i32
        %cond3A_76 = arith.cmpi ne, %convert_element_type3A_74, %cond3A_75 : i32
        scf.if %cond3A_76 {
          %add3A_77 = arith.constant 3 : i32
          %add3A_78 = arith.addi %add3A_48, %add3A_77 : i32
          %scan3A_79 = arith.constant 0 : i32
          %scan3A_80 = arith.constant 0 : i32
          %scan3A_81 = arith.constant 50 : i32
          %scan3A_82 = arith.addi %scan3A_80, %scan3A_81 : i32
          %scan3A_83 = arith.constant 1 : i32
          %scan3A_84 = scf.for %scan3A_89 = %scan3A_80 to %scan3A_82 step %scan3A_83 iter_args(%scan3A_90 = %scan3A_79) -> (i32)  : i32 {
            %mul3A_91 = arith.constant 32 : i32
            %mul3A_92 = arith.muli %add3A_78, %mul3A_91 : i32
            %add3A_93 = arith.constant 0 : i32
            %add3A_94 = arith.addi %mul3A_92, %add3A_93 : i32
            %get3A = arith.index_cast %scan3A_89 : i32 to index
            %get3A_95 = arith.index_cast %add3A_94 : i32 to index
            %get3A_96 = tpu.vector_load %arg5[%get3A, %get3A_95] {strides = array<i32>} : memref<50x512xi32, #tpu.memory_space<vmem>>, vector<1x16xi32>,
            %get3A_97 = vector.shape_cast %get3A_96 : vector<1x16xi32> to vector<16xi32>
            %shift_right_arithmetic3A = arith.constant 15 : i32
            %shift_right_arithmetic3A_98 = vector.broadcast %shift_right_arithmetic3A : i32 to vector<16xi32>
            %shift_right_arithmetic3A_99 = arith.shrsi %get3A_97, %shift_right_arithmetic3A_98 : vector<16xi32>
            %shift_left3A = arith.constant 12 : i32
            %shift_left3A_100 = vector.broadcast %shift_left3A : i32 to vector<16xi32>
            %shift_left3A_101 = arith.shli %shift_right_arithmetic3A_99, %shift_left3A_100 : vector<16xi32>
            %and3A = arith.constant 4095 : i32
            %and3A_102 = vector.broadcast %and3A : i32 to vector<16xi32>
            %and3A_103 = arith.andi %get3A_97, %and3A_102 : vector<16xi32>
            %or3A = arith.ori %shift_left3A_101, %and3A_103 : vector<16xi32>
            %shift_left3A_104 = arith.constant 3 : i32
            %shift_left3A_105 = vector.broadcast %shift_left3A_104 : i32 to vector<16xi32>
            %shift_left3A_106 = arith.shli %or3A, %shift_left3A_105 : vector<16xi32>
            %shift_right_arithmetic3A_107 = arith.constant 12 : i32
            %shift_right_arithmetic3A_108 = vector.broadcast %shift_right_arithmetic3A_107 : i32 to vector<16xi32>
            %shift_right_arithmetic3A_109 = arith.shrsi %get3A_97, %shift_right_arithmetic3A_108 : vector<16xi32>
            %and3A_110 = arith.constant 7 : i32
            %and3A_111 = vector.broadcast %and3A_110 : i32 to vector<16xi32>
            %and3A_112 = arith.andi %shift_right_arithmetic3A_109, %and3A_111 : vector<16xi32>
            %or3A_113 = arith.ori %shift_left3A_106, %and3A_112 : vector<16xi32>
            %mul3A_114 = arith.constant 32 : i32
            %mul3A_115 = arith.muli %scan3A_89, %mul3A_114 : i32
            %add3A_116 = arith.constant 0 : i32
            %add3A_117 = arith.addi %mul3A_115, %add3A_116 : i32
            %swap3A = arith.index_cast %add3A_117 : i32 to index
            %swap3A_118 = tpu.vector_load %arg8[%swap3A] {strides = array<i32>} : memref<1600xi32, #tpu.memory_space<vmem>>, vector<16xi32>,
            %swap3A_119 = vector.shape_cast %swap3A_118 : vector<16xi32> to vector<16xi32>
            %swap3A_120 = vector.shape_cast %or3A_113 : vector<16xi32> to vector<16xi32>
            tpu.vector_store %arg8[%swap3A], %swap3A_120 {strides = array<i32>} : memref<1600xi32, #tpu.memory_space<vmem>>, vector<16xi32>,
            %mul3A_121 = arith.constant 32 : i32
            %mul3A_122 = arith.muli %add3A_78, %mul3A_121 : i32
            %add3A_123 = arith.constant 16 : i32
            %add3A_124 = arith.addi %mul3A_122, %add3A_123 : i32
            %get3A_125 = arith.index_cast %scan3A_89 : i32 to index
            %get3A_126 = arith.index_cast %add3A_124 : i32 to index
            %get3A_127 = tpu.vector_load %arg5[%get3A_125, %get3A_126] {strides = array<i32>} : memref<50x512xi32, #tpu.memory_space<vmem>>, vector<1x16xi32>,
            %get3A_128 = vector.shape_cast %get3A_127 : vector<1x16xi32> to vector<16xi32>
            %shift_right_arithmetic3A_129 = arith.constant 15 : i32
            %shift_right_arithmetic3A_130 = vector.broadcast %shift_right_arithmetic3A_129 : i32 to vector<16xi32>
            %shift_right_arithmetic3A_131 = arith.shrsi %get3A_128, %shift_right_arithmetic3A_130 : vector<16xi32>
            %shift_left3A_132 = arith.constant 12 : i32
            %shift_left3A_133 = vector.broadcast %shift_left3A_132 : i32 to vector<16xi32>
            %shift_left3A_134 = arith.shli %shift_right_arithmetic3A_131, %shift_left3A_133 : vector<16xi32>
            %and3A_135 = arith.constant 4095 : i32
            %and3A_136 = vector.broadcast %and3A_135 : i32 to vector<16xi32>
            %and3A_137 = arith.andi %get3A_128, %and3A_136 : vector<16xi32>
            %or3A_138 = arith.ori %shift_left3A_134, %and3A_137 : vector<16xi32>
            %shift_left3A_139 = arith.constant 3 : i32
            %shift_left3A_140 = vector.broadcast %shift_left3A_139 : i32 to vector<16xi32>
            %shift_left3A_141 = arith.shli %or3A_138, %shift_left3A_140 : vector<16xi32>
            %shift_right_arithmetic3A_142 = arith.constant 12 : i32
            %shift_right_arithmetic3A_143 = vector.broadcast %shift_right_arithmetic3A_142 : i32 to vector<16xi32>
            %shift_right_arithmetic3A_144 = arith.shrsi %get3A_128, %shift_right_arithmetic3A_143 : vector<16xi32>
            %and3A_145 = arith.constant 7 : i32
            %and3A_146 = vector.broadcast %and3A_145 : i32 to vector<16xi32>
            %and3A_147 = arith.andi %shift_right_arithmetic3A_144, %and3A_146 : vector<16xi32>
            %or3A_148 = arith.ori %shift_left3A_141, %and3A_147 : vector<16xi32>
            %mul3A_149 = arith.constant 32 : i32
            %mul3A_150 = arith.muli %scan3A_89, %mul3A_149 : i32
            %add3A_151 = arith.constant 16 : i32
            %add3A_152 = arith.addi %mul3A_150, %add3A_151 : i32
            %swap3A_153 = arith.index_cast %add3A_152 : i32 to index
            %swap3A_154 = tpu.vector_load %arg8[%swap3A_153] {strides = array<i32>} : memref<1600xi32, #tpu.memory_space<vmem>>, vector<16xi32>,
            %swap3A_155 = vector.shape_cast %swap3A_154 : vector<16xi32> to vector<16xi32>
            %swap3A_156 = vector.shape_cast %or3A_148 : vector<16xi32> to vector<16xi32>
            tpu.vector_store %arg8[%swap3A_153], %swap3A_156 {strides = array<i32>} : memref<1600xi32, #tpu.memory_space<vmem>>, vector<16xi32>,
            %scan3A_157 = arith.constant 0 : i32
            scf.yield %scan3A_157 : i32
          }
          %scan3A_85 = arith.constant 50 : i32
          %dma_start3A_86 = arith.constant 0 : i32
          %dma_start3A_87 = arith.constant 0 : i32
          %dma_start3A_88 = tpu.memref_slice %arg3[%dma_start3A_86, %dma_start3A_87] : memref<1015808x16xf32, #tpu.memory_space<hbm>> -> memref<1015808x16xf32, #tpu.memory_space<hbm>>
          tpu.enqueue_indirect_dma source(%dma_start3A_88 : memref<1015808x16xf32, #tpu.memory_space<hbm>>) target(%arg11 : memref<1600x16xf32, #tpu.memory_space<vmem>>) offsets(%arg8 : memref<1600xi32, #tpu.memory_space<vmem>>) semaphore(%arg14 : memref<!tpu.dma_semaphore, #tpu.memory_space<semaphore_mem>>)
        } else {
        }
      } else {
      }
      %add3A_54 = arith.constant 2 : i32
      %add3A_55 = arith.addi %add3A_42, %add3A_54 : i32
      %lt3A_56 = arith.constant 16 : i32
      %lt3A_57 = arith.cmpi slt, %add3A_55, %lt3A_56 : i32
      %convert_element_type3A_58 = arith.extui %lt3A_57 : i1 to i32
      %cond3A_59 = arith.constant 0 : i32
      %cond3A_60 = arith.cmpi ne, %convert_element_type3A_58, %cond3A_59 : i32
      scf.if %cond3A_60 {
        %dma_wait3A = arith.constant 0 : i32
        %dma_wait3A_61 = arith.constant 0 : i32
        %dma_wait3A_62 = tpu.memref_slice %arg3[%dma_wait3A, %dma_wait3A_61] : memref<1015808x16xf32, #tpu.memory_space<hbm>> -> memref<1015808x16xf32, #tpu.memory_space<hbm>>
        tpu.wait_indirect_dma semaphore(%arg15 : memref<!tpu.dma_semaphore, #tpu.memory_space<semaphore_mem>>) src(%dma_wait3A_62 : memref<1015808x16xf32, #tpu.memory_space<hbm>>) dst(%arg12 : memref<1600x16xf32, #tpu.memory_space<vmem>>)
        %scan3A_63 = arith.constant 0 : i32
        %scan3A_64 = arith.constant 0 : i32
        %scan3A_65 = arith.constant 32 : i32
        %scan3A_66 = arith.addi %scan3A_64, %scan3A_65 : i32
        %scan3A_67 = arith.constant 1 : i32
        %scan3A_68 = scf.for %scan3A_77 = %scan3A_64 to %scan3A_66 step %scan3A_67 iter_args(%scan3A_78 = %scan3A_63) -> (i32)  : i32 {
          %broadcast_in_dim3A = arith.constant 0.000000e+00 : f32
          %broadcast_in_dim3A_79 = vector.broadcast %broadcast_in_dim3A : f32 to vector<16xf32>
          %add3A_80 = arith.constant 0 : i32
          %add3A_81 = arith.addi %add3A_80, %scan3A_77 : i32
          %get3A = arith.index_cast %add3A_81 : i32 to index
          %get3A_82 = arith.constant 0 : index
          %get3A_83 = tpu.vector_load %arg12[%get3A, %get3A_82] {strides = array<i32>} : memref<1600x16xf32, #tpu.memory_space<vmem>>, vector<1x16xf32>,
          %get3A_84 = vector.shape_cast %get3A_83 : vector<1x16xf32> to vector<16xf32>
          %add3A_85 = arith.addf %broadcast_in_dim3A_79, %get3A_84 : vector<16xf32>
          %add3A_86 = arith.constant 32 : i32
          %add3A_87 = arith.addi %add3A_86, %scan3A_77 : i32
          %get3A_88 = arith.index_cast %add3A_87 : i32 to index
          %get3A_89 = arith.constant 0 : index
          %get3A_90 = tpu.vector_load %arg12[%get3A_88, %get3A_89] {strides = array<i32>} : memref<1600x16xf32, #tpu.memory_space<vmem>>, vector<1x16xf32>,
          %get3A_91 = vector.shape_cast %get3A_90 : vector<1x16xf32> to vector<16xf32>
          %add3A_92 = arith.addf %broadcast_in_dim3A_79, %get3A_91 : vector<16xf32>
          %add3A_93 = arith.constant 64 : i32
          %add3A_94 = arith.addi %add3A_93, %scan3A_77 : i32
          %get3A_95 = arith.index_cast %add3A_94 : i32 to index
          %get3A_96 = arith.constant 0 : index
          %get3A_97 = tpu.vector_load %arg12[%get3A_95, %get3A_96] {strides = array<i32>} : memref<1600x16xf32, #tpu.memory_space<vmem>>, vector<1x16xf32>,
          %get3A_98 = vector.shape_cast %get3A_97 : vector<1x16xf32> to vector<16xf32>
          %add3A_99 = arith.addf %broadcast_in_dim3A_79, %get3A_98 : vector<16xf32>
          %add3A_100 = arith.constant 96 : i32
          %add3A_101 = arith.addi %add3A_100, %scan3A_77 : i32
          %get3A_102 = arith.index_cast %add3A_101 : i32 to index
          %get3A_103 = arith.constant 0 : index
          %get3A_104 = tpu.vector_load %arg12[%get3A_102, %get3A_103] {strides = array<i32>} : memref<1600x16xf32, #tpu.memory_space<vmem>>, vector<1x16xf32>,
          %get3A_105 = vector.shape_cast %get3A_104 : vector<1x16xf32> to vector<16xf32>
          %add3A_106 = arith.addf %broadcast_in_dim3A_79, %get3A_105 : vector<16xf32>
          %add3A_107 = arith.constant 128 : i32
          %add3A_108 = arith.addi %add3A_107, %scan3A_77 : i32
          %get3A_109 = arith.index_cast %add3A_108 : i32 to index
          %get3A_110 = arith.constant 0 : index
          %get3A_111 = tpu.vector_load %arg12[%get3A_109, %get3A_110] {strides = array<i32>} : memref<1600x16xf32, #tpu.memory_space<vmem>>, vector<1x16xf32>,
          %get3A_112 = vector.shape_cast %get3A_111 : vector<1x16xf32> to vector<16xf32>
          %add3A_113 = arith.addf %add3A_85, %get3A_112 : vector<16xf32>
          %add3A_114 = arith.constant 160 : i32
          %add3A_115 = arith.addi %add3A_114, %scan3A_77 : i32
          %get3A_116 = arith.index_cast %add3A_115 : i32 to index
          %get3A_117 = arith.constant 0 : index
          %get3A_118 = tpu.vector_load %arg12[%get3A_116, %get3A_117] {strides = array<i32>} : memref<1600x16xf32, #tpu.memory_space<vmem>>, vector<1x16xf32>,
          %get3A_119 = vector.shape_cast %get3A_118 : vector<1x16xf32> to vector<16xf32>
          %add3A_120 = arith.addf %add3A_92, %get3A_119 : vector<16xf32>
          %add3A_121 = arith.constant 192 : i32
          %add3A_122 = arith.addi %add3A_121, %scan3A_77 : i32
          %get3A_123 = arith.index_cast %add3A_122 : i32 to index
          %get3A_124 = arith.constant 0 : index
          %get3A_125 = tpu.vector_load %arg12[%get3A_123, %get3A_124] {strides = array<i32>} : memref<1600x16xf32, #tpu.memory_space<vmem>>, vector<1x16xf32>,
          %get3A_126 = vector.shape_cast %get3A_125 : vector<1x16xf32> to vector<16xf32>
          %add3A_127 = arith.addf %add3A_99, %get3A_126 : vector<16xf32>
          %add3A_128 = arith.constant 224 : i32
          %add3A_129 = arith.addi %add3A_128, %scan3A_77 : i32
          %get3A_130 = arith.index_cast %add3A_129 : i32 to index
          %get3A_131 = arith.constant 0 : index
          %get3A_132 = tpu.vector_load %arg12[%get3A_130, %get3A_131] {strides = array<i32>} : memref<1600x16xf32, #tpu.memory_space<vmem>>, vector<1x16xf32>,
          %get3A_133 = vector.shape_cast %get3A_132 : vector<1x16xf32> to vector<16xf32>
          %add3A_134 = arith.addf %add3A_106, %get3A_133 : vector<16xf32>
          %add3A_135 = arith.constant 256 : i32
          %add3A_136 = arith.addi %add3A_135, %scan3A_77 : i32
          %get3A_137 = arith.index_cast %add3A_136 : i32 to index
          %get3A_138 = arith.constant 0 : index
          %get3A_139 = tpu.vector_load %arg12[%get3A_137, %get3A_138] {strides = array<i32>} : memref<1600x16xf32, #tpu.memory_space<vmem>>, vector<1x16xf32>,
          %get3A_140 = vector.shape_cast %get3A_139 : vector<1x16xf32> to vector<16xf32>
          %add3A_141 = arith.addf %add3A_113, %get3A_140 : vector<16xf32>
          %add3A_142 = arith.constant 288 : i32
          %add3A_143 = arith.addi %add3A_142, %scan3A_77 : i32
          %get3A_144 = arith.index_cast %add3A_143 : i32 to index
          %get3A_145 = arith.constant 0 : index
          %get3A_146 = tpu.vector_load %arg12[%get3A_144, %get3A_145] {strides = array<i32>} : memref<1600x16xf32, #tpu.memory_space<vmem>>, vector<1x16xf32>,
          %get3A_147 = vector.shape_cast %get3A_146 : vector<1x16xf32> to vector<16xf32>
          %add3A_148 = arith.addf %add3A_120, %get3A_147 : vector<16xf32>
          %add3A_149 = arith.constant 320 : i32
          %add3A_150 = arith.addi %add3A_149, %scan3A_77 : i32
          %get3A_151 = arith.index_cast %add3A_150 : i32 to index
          %get3A_152 = arith.constant 0 : index
          %get3A_153 = tpu.vector_load %arg12[%get3A_151, %get3A_152] {strides = array<i32>} : memref<1600x16xf32, #tpu.memory_space<vmem>>, vector<1x16xf32>,
          %get3A_154 = vector.shape_cast %get3A_153 : vector<1x16xf32> to vector<16xf32>
          %add3A_155 = arith.addf %add3A_127, %get3A_154 : vector<16xf32>
          %add3A_156 = arith.constant 352 : i32
          %add3A_157 = arith.addi %add3A_156, %scan3A_77 : i32
          %get3A_158 = arith.index_cast %add3A_157 : i32 to index
          %get3A_159 = arith.constant 0 : index
          %get3A_160 = tpu.vector_load %arg12[%get3A_158, %get3A_159] {strides = array<i32>} : memref<1600x16xf32, #tpu.memory_space<vmem>>, vector<1x16xf32>,
          %get3A_161 = vector.shape_cast %get3A_160 : vector<1x16xf32> to vector<16xf32>
          %add3A_162 = arith.addf %add3A_134, %get3A_161 : vector<16xf32>
          %add3A_163 = arith.constant 384 : i32
          %add3A_164 = arith.addi %add3A_163, %scan3A_77 : i32
          %get3A_165 = arith.index_cast %add3A_164 : i32 to index
          %get3A_166 = arith.constant 0 : index
          %get3A_167 = tpu.vector_load %arg12[%get3A_165, %get3A_166] {strides = array<i32>} : memref<1600x16xf32, #tpu.memory_space<vmem>>, vector<1x16xf32>,
          %get3A_168 = vector.shape_cast %get3A_167 : vector<1x16xf32> to vector<16xf32>
          %add3A_169 = arith.addf %add3A_141, %get3A_168 : vector<16xf32>
          %add3A_170 = arith.constant 416 : i32
          %add3A_171 = arith.addi %add3A_170, %scan3A_77 : i32
          %get3A_172 = arith.index_cast %add3A_171 : i32 to index
          %get3A_173 = arith.constant 0 : index
          %get3A_174 = tpu.vector_load %arg12[%get3A_172, %get3A_173] {strides = array<i32>} : memref<1600x16xf32, #tpu.memory_space<vmem>>, vector<1x16xf32>,
          %get3A_175 = vector.shape_cast %get3A_174 : vector<1x16xf32> to vector<16xf32>
          %add3A_176 = arith.addf %add3A_148, %get3A_175 : vector<16xf32>
          %add3A_177 = arith.constant 448 : i32
          %add3A_178 = arith.addi %add3A_177, %scan3A_77 : i32
          %get3A_179 = arith.index_cast %add3A_178 : i32 to index
          %get3A_180 = arith.constant 0 : index
          %get3A_181 = tpu.vector_load %arg12[%get3A_179, %get3A_180] {strides = array<i32>} : memref<1600x16xf32, #tpu.memory_space<vmem>>, vector<1x16xf32>,
          %get3A_182 = vector.shape_cast %get3A_181 : vector<1x16xf32> to vector<16xf32>
          %add3A_183 = arith.addf %add3A_155, %get3A_182 : vector<16xf32>
          %add3A_184 = arith.constant 480 : i32
          %add3A_185 = arith.addi %add3A_184, %scan3A_77 : i32
          %get3A_186 = arith.index_cast %add3A_185 : i32 to index
          %get3A_187 = arith.constant 0 : index
          %get3A_188 = tpu.vector_load %arg12[%get3A_186, %get3A_187] {strides = array<i32>} : memref<1600x16xf32, #tpu.memory_space<vmem>>, vector<1x16xf32>,
          %get3A_189 = vector.shape_cast %get3A_188 : vector<1x16xf32> to vector<16xf32>
          %add3A_190 = arith.addf %add3A_162, %get3A_189 : vector<16xf32>
          %add3A_191 = arith.constant 512 : i32
          %add3A_192 = arith.addi %add3A_191, %scan3A_77 : i32
          %get3A_193 = arith.index_cast %add3A_192 : i32 to index
          %get3A_194 = arith.constant 0 : index
          %get3A_195 = tpu.vector_load %arg12[%get3A_193, %get3A_194] {strides = array<i32>} : memref<1600x16xf32, #tpu.memory_space<vmem>>, vector<1x16xf32>,
          %get3A_196 = vector.shape_cast %get3A_195 : vector<1x16xf32> to vector<16xf32>
          %add3A_197 = arith.addf %add3A_169, %get3A_196 : vector<16xf32>
          %add3A_198 = arith.constant 544 : i32
          %add3A_199 = arith.addi %add3A_198, %scan3A_77 : i32
          %get3A_200 = arith.index_cast %add3A_199 : i32 to index
          %get3A_201 = arith.constant 0 : index
          %get3A_202 = tpu.vector_load %arg12[%get3A_200, %get3A_201] {strides = array<i32>} : memref<1600x16xf32, #tpu.memory_space<vmem>>, vector<1x16xf32>,
          %get3A_203 = vector.shape_cast %get3A_202 : vector<1x16xf32> to vector<16xf32>
          %add3A_204 = arith.addf %add3A_176, %get3A_203 : vector<16xf32>
          %add3A_205 = arith.constant 576 : i32
          %add3A_206 = arith.addi %add3A_205, %scan3A_77 : i32
          %get3A_207 = arith.index_cast %add3A_206 : i32 to index
          %get3A_208 = arith.constant 0 : index
          %get3A_209 = tpu.vector_load %arg12[%get3A_207, %get3A_208] {strides = array<i32>} : memref<1600x16xf32, #tpu.memory_space<vmem>>, vector<1x16xf32>,
          %get3A_210 = vector.shape_cast %get3A_209 : vector<1x16xf32> to vector<16xf32>
          %add3A_211 = arith.addf %add3A_183, %get3A_210 : vector<16xf32>
          %add3A_212 = arith.constant 608 : i32
          %add3A_213 = arith.addi %add3A_212, %scan3A_77 : i32
          %get3A_214 = arith.index_cast %add3A_213 : i32 to index
          %get3A_215 = arith.constant 0 : index
          %get3A_216 = tpu.vector_load %arg12[%get3A_214, %get3A_215] {strides = array<i32>} : memref<1600x16xf32, #tpu.memory_space<vmem>>, vector<1x16xf32>,
          %get3A_217 = vector.shape_cast %get3A_216 : vector<1x16xf32> to vector<16xf32>
          %add3A_218 = arith.addf %add3A_190, %get3A_217 : vector<16xf32>
          %add3A_219 = arith.constant 640 : i32
          %add3A_220 = arith.addi %add3A_219, %scan3A_77 : i32
          %get3A_221 = arith.index_cast %add3A_220 : i32 to index
          %get3A_222 = arith.constant 0 : index
          %get3A_223 = tpu.vector_load %arg12[%get3A_221, %get3A_222] {strides = array<i32>} : memref<1600x16xf32, #tpu.memory_space<vmem>>, vector<1x16xf32>,
          %get3A_224 = vector.shape_cast %get3A_223 : vector<1x16xf32> to vector<16xf32>
          %add3A_225 = arith.addf %add3A_197, %get3A_224 : vector<16xf32>
          %add3A_226 = arith.constant 672 : i32
          %add3A_227 = arith.addi %add3A_226, %scan3A_77 : i32
          %get3A_228 = arith.index_cast %add3A_227 : i32 to index
          %get3A_229 = arith.constant 0 : index
          %get3A_230 = tpu.vector_load %arg12[%get3A_228, %get3A_229] {strides = array<i32>} : memref<1600x16xf32, #tpu.memory_space<vmem>>, vector<1x16xf32>,
          %get3A_231 = vector.shape_cast %get3A_230 : vector<1x16xf32> to vector<16xf32>
          %add3A_232 = arith.addf %add3A_204, %get3A_231 : vector<16xf32>
          %add3A_233 = arith.constant 704 : i32
          %add3A_234 = arith.addi %add3A_233, %scan3A_77 : i32
          %get3A_235 = arith.index_cast %add3A_234 : i32 to index
          %get3A_236 = arith.constant 0 : index
          %get3A_237 = tpu.vector_load %arg12[%get3A_235, %get3A_236] {strides = array<i32>} : memref<1600x16xf32, #tpu.memory_space<vmem>>, vector<1x16xf32>,
          %get3A_238 = vector.shape_cast %get3A_237 : vector<1x16xf32> to vector<16xf32>
          %add3A_239 = arith.addf %add3A_211, %get3A_238 : vector<16xf32>
          %add3A_240 = arith.constant 736 : i32
          %add3A_241 = arith.addi %add3A_240, %scan3A_77 : i32
          %get3A_242 = arith.index_cast %add3A_241 : i32 to index
          %get3A_243 = arith.constant 0 : index
          %get3A_244 = tpu.vector_load %arg12[%get3A_242, %get3A_243] {strides = array<i32>} : memref<1600x16xf32, #tpu.memory_space<vmem>>, vector<1x16xf32>,
          %get3A_245 = vector.shape_cast %get3A_244 : vector<1x16xf32> to vector<16xf32>
          %add3A_246 = arith.addf %add3A_218, %get3A_245 : vector<16xf32>
          %add3A_247 = arith.constant 768 : i32
          %add3A_248 = arith.addi %add3A_247, %scan3A_77 : i32
          %get3A_249 = arith.index_cast %add3A_248 : i32 to index
          %get3A_250 = arith.constant 0 : index
          %get3A_251 = tpu.vector_load %arg12[%get3A_249, %get3A_250] {strides = array<i32>} : memref<1600x16xf32, #tpu.memory_space<vmem>>, vector<1x16xf32>,
          %get3A_252 = vector.shape_cast %get3A_251 : vector<1x16xf32> to vector<16xf32>
          %add3A_253 = arith.addf %add3A_225, %get3A_252 : vector<16xf32>
          %add3A_254 = arith.constant 800 : i32
          %add3A_255 = arith.addi %add3A_254, %scan3A_77 : i32
          %get3A_256 = arith.index_cast %add3A_255 : i32 to index
          %get3A_257 = arith.constant 0 : index
          %get3A_258 = tpu.vector_load %arg12[%get3A_256, %get3A_257] {strides = array<i32>} : memref<1600x16xf32, #tpu.memory_space<vmem>>, vector<1x16xf32>,
          %get3A_259 = vector.shape_cast %get3A_258 : vector<1x16xf32> to vector<16xf32>
          %add3A_260 = arith.addf %add3A_232, %get3A_259 : vector<16xf32>
          %add3A_261 = arith.constant 832 : i32
          %add3A_262 = arith.addi %add3A_261, %scan3A_77 : i32
          %get3A_263 = arith.index_cast %add3A_262 : i32 to index
          %get3A_264 = arith.constant 0 : index
          %get3A_265 = tpu.vector_load %arg12[%get3A_263, %get3A_264] {strides = array<i32>} : memref<1600x16xf32, #tpu.memory_space<vmem>>, vector<1x16xf32>,
          %get3A_266 = vector.shape_cast %get3A_265 : vector<1x16xf32> to vector<16xf32>
          %add3A_267 = arith.addf %add3A_239, %get3A_266 : vector<16xf32>
          %add3A_268 = arith.constant 864 : i32
          %add3A_269 = arith.addi %add3A_268, %scan3A_77 : i32
          %get3A_270 = arith.index_cast %add3A_269 : i32 to index
          %get3A_271 = arith.constant 0 : index
          %get3A_272 = tpu.vector_load %arg12[%get3A_270, %get3A_271] {strides = array<i32>} : memref<1600x16xf32, #tpu.memory_space<vmem>>, vector<1x16xf32>,
          %get3A_273 = vector.shape_cast %get3A_272 : vector<1x16xf32> to vector<16xf32>
          %add3A_274 = arith.addf %add3A_246, %get3A_273 : vector<16xf32>
          %add3A_275 = arith.constant 896 : i32
          %add3A_276 = arith.addi %add3A_275, %scan3A_77 : i32
          %get3A_277 = arith.index_cast %add3A_276 : i32 to index
          %get3A_278 = arith.constant 0 : index
          %get3A_279 = tpu.vector_load %arg12[%get3A_277, %get3A_278] {strides = array<i32>} : memref<1600x16xf32, #tpu.memory_space<vmem>>, vector<1x16xf32>,
          %get3A_280 = vector.shape_cast %get3A_279 : vector<1x16xf32> to vector<16xf32>
          %add3A_281 = arith.addf %add3A_253, %get3A_280 : vector<16xf32>
          %add3A_282 = arith.constant 928 : i32
          %add3A_283 = arith.addi %add3A_282, %scan3A_77 : i32
          %get3A_284 = arith.index_cast %add3A_283 : i32 to index
          %get3A_285 = arith.constant 0 : index
          %get3A_286 = tpu.vector_load %arg12[%get3A_284, %get3A_285] {strides = array<i32>} : memref<1600x16xf32, #tpu.memory_space<vmem>>, vector<1x16xf32>,
          %get3A_287 = vector.shape_cast %get3A_286 : vector<1x16xf32> to vector<16xf32>
          %add3A_288 = arith.addf %add3A_260, %get3A_287 : vector<16xf32>
          %add3A_289 = arith.constant 960 : i32
          %add3A_290 = arith.addi %add3A_289, %scan3A_77 : i32
          %get3A_291 = arith.index_cast %add3A_290 : i32 to index
          %get3A_292 = arith.constant 0 : index
          %get3A_293 = tpu.vector_load %arg12[%get3A_291, %get3A_292] {strides = array<i32>} : memref<1600x16xf32, #tpu.memory_space<vmem>>, vector<1x16xf32>,
          %get3A_294 = vector.shape_cast %get3A_293 : vector<1x16xf32> to vector<16xf32>
          %add3A_295 = arith.addf %add3A_267, %get3A_294 : vector<16xf32>
          %add3A_296 = arith.constant 992 : i32
          %add3A_297 = arith.addi %add3A_296, %scan3A_77 : i32
          %get3A_298 = arith.index_cast %add3A_297 : i32 to index
          %get3A_299 = arith.constant 0 : index
          %get3A_300 = tpu.vector_load %arg12[%get3A_298, %get3A_299] {strides = array<i32>} : memref<1600x16xf32, #tpu.memory_space<vmem>>, vector<1x16xf32>,
          %get3A_301 = vector.shape_cast %get3A_300 : vector<1x16xf32> to vector<16xf32>
          %add3A_302 = arith.addf %add3A_274, %get3A_301 : vector<16xf32>
          %add3A_303 = arith.constant 1024 : i32
          %add3A_304 = arith.addi %add3A_303, %scan3A_77 : i32
          %get3A_305 = arith.index_cast %add3A_304 : i32 to index
          %get3A_306 = arith.constant 0 : index
          %get3A_307 = tpu.vector_load %arg12[%get3A_305, %get3A_306] {strides = array<i32>} : memref<1600x16xf32, #tpu.memory_space<vmem>>, vector<1x16xf32>,
          %get3A_308 = vector.shape_cast %get3A_307 : vector<1x16xf32> to vector<16xf32>
          %add3A_309 = arith.addf %add3A_281, %get3A_308 : vector<16xf32>
          %add3A_310 = arith.constant 1056 : i32
          %add3A_311 = arith.addi %add3A_310, %scan3A_77 : i32
          %get3A_312 = arith.index_cast %add3A_311 : i32 to index
          %get3A_313 = arith.constant 0 : index
          %get3A_314 = tpu.vector_load %arg12[%get3A_312, %get3A_313] {strides = array<i32>} : memref<1600x16xf32, #tpu.memory_space<vmem>>, vector<1x16xf32>,
          %get3A_315 = vector.shape_cast %get3A_314 : vector<1x16xf32> to vector<16xf32>
          %add3A_316 = arith.addf %add3A_288, %get3A_315 : vector<16xf32>
          %add3A_317 = arith.constant 1088 : i32
          %add3A_318 = arith.addi %add3A_317, %scan3A_77 : i32
          %get3A_319 = arith.index_cast %add3A_318 : i32 to index
          %get3A_320 = arith.constant 0 : index
          %get3A_321 = tpu.vector_load %arg12[%get3A_319, %get3A_320] {strides = array<i32>} : memref<1600x16xf32, #tpu.memory_space<vmem>>, vector<1x16xf32>,
          %get3A_322 = vector.shape_cast %get3A_321 : vector<1x16xf32> to vector<16xf32>
          %add3A_323 = arith.addf %add3A_295, %get3A_322 : vector<16xf32>
          %add3A_324 = arith.constant 1120 : i32
          %add3A_325 = arith.addi %add3A_324, %scan3A_77 : i32
          %get3A_326 = arith.index_cast %add3A_325 : i32 to index
          %get3A_327 = arith.constant 0 : index
          %get3A_328 = tpu.vector_load %arg12[%get3A_326, %get3A_327] {strides = array<i32>} : memref<1600x16xf32, #tpu.memory_space<vmem>>, vector<1x16xf32>,
          %get3A_329 = vector.shape_cast %get3A_328 : vector<1x16xf32> to vector<16xf32>
          %add3A_330 = arith.addf %add3A_302, %get3A_329 : vector<16xf32>
          %add3A_331 = arith.constant 1152 : i32
          %add3A_332 = arith.addi %add3A_331, %scan3A_77 : i32
          %get3A_333 = arith.index_cast %add3A_332 : i32 to index
          %get3A_334 = arith.constant 0 : index
          %get3A_335 = tpu.vector_load %arg12[%get3A_333, %get3A_334] {strides = array<i32>} : memref<1600x16xf32, #tpu.memory_space<vmem>>, vector<1x16xf32>,
          %get3A_336 = vector.shape_cast %get3A_335 : vector<1x16xf32> to vector<16xf32>
          %add3A_337 = arith.addf %add3A_309, %get3A_336 : vector<16xf32>
          %add3A_338 = arith.constant 1184 : i32
          %add3A_339 = arith.addi %add3A_338, %scan3A_77 : i32
          %get3A_340 = arith.index_cast %add3A_339 : i32 to index
          %get3A_341 = arith.constant 0 : index
          %get3A_342 = tpu.vector_load %arg12[%get3A_340, %get3A_341] {strides = array<i32>} : memref<1600x16xf32, #tpu.memory_space<vmem>>, vector<1x16xf32>,
          %get3A_343 = vector.shape_cast %get3A_342 : vector<1x16xf32> to vector<16xf32>
          %add3A_344 = arith.addf %add3A_316, %get3A_343 : vector<16xf32>
          %add3A_345 = arith.constant 1216 : i32
          %add3A_346 = arith.addi %add3A_345, %scan3A_77 : i32
          %get3A_347 = arith.index_cast %add3A_346 : i32 to index
          %get3A_348 = arith.constant 0 : index
          %get3A_349 = tpu.vector_load %arg12[%get3A_347, %get3A_348] {strides = array<i32>} : memref<1600x16xf32, #tpu.memory_space<vmem>>, vector<1x16xf32>,
          %get3A_350 = vector.shape_cast %get3A_349 : vector<1x16xf32> to vector<16xf32>
          %add3A_351 = arith.addf %add3A_323, %get3A_350 : vector<16xf32>
          %add3A_352 = arith.constant 1248 : i32
          %add3A_353 = arith.addi %add3A_352, %scan3A_77 : i32
          %get3A_354 = arith.index_cast %add3A_353 : i32 to index
          %get3A_355 = arith.constant 0 : index
          %get3A_356 = tpu.vector_load %arg12[%get3A_354, %get3A_355] {strides = array<i32>} : memref<1600x16xf32, #tpu.memory_space<vmem>>, vector<1x16xf32>,
          %get3A_357 = vector.shape_cast %get3A_356 : vector<1x16xf32> to vector<16xf32>
          %add3A_358 = arith.addf %add3A_330, %get3A_357 : vector<16xf32>
          %add3A_359 = arith.constant 1280 : i32
          %add3A_360 = arith.addi %add3A_359, %scan3A_77 : i32
          %get3A_361 = arith.index_cast %add3A_360 : i32 to index
          %get3A_362 = arith.constant 0 : index
          %get3A_363 = tpu.vector_load %arg12[%get3A_361, %get3A_362] {strides = array<i32>} : memref<1600x16xf32, #tpu.memory_space<vmem>>, vector<1x16xf32>,
          %get3A_364 = vector.shape_cast %get3A_363 : vector<1x16xf32> to vector<16xf32>
          %add3A_365 = arith.addf %add3A_337, %get3A_364 : vector<16xf32>
          %add3A_366 = arith.constant 1312 : i32
          %add3A_367 = arith.addi %add3A_366, %scan3A_77 : i32
          %get3A_368 = arith.index_cast %add3A_367 : i32 to index
          %get3A_369 = arith.constant 0 : index
          %get3A_370 = tpu.vector_load %arg12[%get3A_368, %get3A_369] {strides = array<i32>} : memref<1600x16xf32, #tpu.memory_space<vmem>>, vector<1x16xf32>,
          %get3A_371 = vector.shape_cast %get3A_370 : vector<1x16xf32> to vector<16xf32>
          %add3A_372 = arith.addf %add3A_344, %get3A_371 : vector<16xf32>
          %add3A_373 = arith.constant 1344 : i32
          %add3A_374 = arith.addi %add3A_373, %scan3A_77 : i32
          %get3A_375 = arith.index_cast %add3A_374 : i32 to index
          %get3A_376 = arith.constant 0 : index
          %get3A_377 = tpu.vector_load %arg12[%get3A_375, %get3A_376] {strides = array<i32>} : memref<1600x16xf32, #tpu.memory_space<vmem>>, vector<1x16xf32>,
          %get3A_378 = vector.shape_cast %get3A_377 : vector<1x16xf32> to vector<16xf32>
          %add3A_379 = arith.addf %add3A_351, %get3A_378 : vector<16xf32>
          %add3A_380 = arith.constant 1376 : i32
          %add3A_381 = arith.addi %add3A_380, %scan3A_77 : i32
          %get3A_382 = arith.index_cast %add3A_381 : i32 to index
          %get3A_383 = arith.constant 0 : index
          %get3A_384 = tpu.vector_load %arg12[%get3A_382, %get3A_383] {strides = array<i32>} : memref<1600x16xf32, #tpu.memory_space<vmem>>, vector<1x16xf32>,
          %get3A_385 = vector.shape_cast %get3A_384 : vector<1x16xf32> to vector<16xf32>
          %add3A_386 = arith.addf %add3A_358, %get3A_385 : vector<16xf32>
          %add3A_387 = arith.constant 1408 : i32
          %add3A_388 = arith.addi %add3A_387, %scan3A_77 : i32
          %get3A_389 = arith.index_cast %add3A_388 : i32 to index
          %get3A_390 = arith.constant 0 : index
          %get3A_391 = tpu.vector_load %arg12[%get3A_389, %get3A_390] {strides = array<i32>} : memref<1600x16xf32, #tpu.memory_space<vmem>>, vector<1x16xf32>,
          %get3A_392 = vector.shape_cast %get3A_391 : vector<1x16xf32> to vector<16xf32>
          %add3A_393 = arith.addf %add3A_365, %get3A_392 : vector<16xf32>
          %add3A_394 = arith.constant 1440 : i32
          %add3A_395 = arith.addi %add3A_394, %scan3A_77 : i32
          %get3A_396 = arith.index_cast %add3A_395 : i32 to index
          %get3A_397 = arith.constant 0 : index
          %get3A_398 = tpu.vector_load %arg12[%get3A_396, %get3A_397] {strides = array<i32>} : memref<1600x16xf32, #tpu.memory_space<vmem>>, vector<1x16xf32>,
          %get3A_399 = vector.shape_cast %get3A_398 : vector<1x16xf32> to vector<16xf32>
          %add3A_400 = arith.addf %add3A_372, %get3A_399 : vector<16xf32>
          %add3A_401 = arith.constant 1472 : i32
          %add3A_402 = arith.addi %add3A_401, %scan3A_77 : i32
          %get3A_403 = arith.index_cast %add3A_402 : i32 to index
          %get3A_404 = arith.constant 0 : index
          %get3A_405 = tpu.vector_load %arg12[%get3A_403, %get3A_404] {strides = array<i32>} : memref<1600x16xf32, #tpu.memory_space<vmem>>, vector<1x16xf32>,
          %get3A_406 = vector.shape_cast %get3A_405 : vector<1x16xf32> to vector<16xf32>
          %add3A_407 = arith.addf %add3A_379, %get3A_406 : vector<16xf32>
          %add3A_408 = arith.constant 1504 : i32
          %add3A_409 = arith.addi %add3A_408, %scan3A_77 : i32
          %get3A_410 = arith.index_cast %add3A_409 : i32 to index
          %get3A_411 = arith.constant 0 : index
          %get3A_412 = tpu.vector_load %arg12[%get3A_410, %get3A_411] {strides = array<i32>} : memref<1600x16xf32, #tpu.memory_space<vmem>>, vector<1x16xf32>,
          %get3A_413 = vector.shape_cast %get3A_412 : vector<1x16xf32> to vector<16xf32>
          %add3A_414 = arith.addf %add3A_386, %get3A_413 : vector<16xf32>
          %add3A_415 = arith.constant 1536 : i32
          %add3A_416 = arith.addi %add3A_415, %scan3A_77 : i32
          %get3A_417 = arith.index_cast %add3A_416 : i32 to index
          %get3A_418 = arith.constant 0 : index
          %get3A_419 = tpu.vector_load %arg12[%get3A_417, %get3A_418] {strides = array<i32>} : memref<1600x16xf32, #tpu.memory_space<vmem>>, vector<1x16xf32>,
          %get3A_420 = vector.shape_cast %get3A_419 : vector<1x16xf32> to vector<16xf32>
          %add3A_421 = arith.addf %add3A_393, %get3A_420 : vector<16xf32>
          %add3A_422 = arith.constant 1568 : i32
          %add3A_423 = arith.addi %add3A_422, %scan3A_77 : i32
          %get3A_424 = arith.index_cast %add3A_423 : i32 to index
          %get3A_425 = arith.constant 0 : index
          %get3A_426 = tpu.vector_load %arg12[%get3A_424, %get3A_425] {strides = array<i32>} : memref<1600x16xf32, #tpu.memory_space<vmem>>, vector<1x16xf32>,
          %get3A_427 = vector.shape_cast %get3A_426 : vector<1x16xf32> to vector<16xf32>
          %add3A_428 = arith.addf %add3A_400, %get3A_427 : vector<16xf32>
          %mul3A_429 = arith.constant 32 : i32
          %mul3A_430 = arith.muli %add3A_55, %mul3A_429 : i32
          %add3A_431 = arith.addi %mul3A_430, %scan3A_77 : i32
          %add3A_432 = arith.addf %add3A_421, %add3A_428 : vector<16xf32>
          %add3A_433 = arith.addf %add3A_407, %add3A_414 : vector<16xf32>
          %add3A_434 = arith.addf %add3A_432, %add3A_433 : vector<16xf32>
          %swap3A = arith.index_cast %add3A_431 : i32 to index
          %swap3A_435 = arith.constant 0 : index
          %swap3A_436 = tpu.vector_load %arg6[%swap3A, %swap3A_435] {strides = array<i32>} : memref<512x16xf32, #tpu.memory_space<vmem>>, vector<1x16xf32>,
          %swap3A_437 = vector.shape_cast %swap3A_436 : vector<1x16xf32> to vector<16xf32>
          %swap3A_438 = vector.shape_cast %add3A_434 : vector<16xf32> to vector<1x16xf32>
          tpu.vector_store %arg6[%swap3A, %swap3A_435], %swap3A_438 {strides = array<i32>} : memref<512x16xf32, #tpu.memory_space<vmem>>, vector<1x16xf32>,
          %scan3A_439 = arith.constant 0 : i32
          scf.yield %scan3A_439 : i32
        }
        %scan3A_69 = arith.constant 32 : i32
        %add3A_70 = arith.constant 3 : i32
        %add3A_71 = arith.addi %add3A_55, %add3A_70 : i32
        %lt3A_72 = arith.constant 16 : i32
        %lt3A_73 = arith.cmpi slt, %add3A_71, %lt3A_72 : i32
        %convert_element_type3A_74 = arith.extui %lt3A_73 : i1 to i32
        %cond3A_75 = arith.constant 0 : i32
        %cond3A_76 = arith.cmpi ne, %convert_element_type3A_74, %cond3A_75 : i32
        scf.if %cond3A_76 {
          %add3A_77 = arith.constant 3 : i32
          %add3A_78 = arith.addi %add3A_55, %add3A_77 : i32
          %scan3A_79 = arith.constant 0 : i32
          %scan3A_80 = arith.constant 0 : i32
          %scan3A_81 = arith.constant 50 : i32
          %scan3A_82 = arith.addi %scan3A_80, %scan3A_81 : i32
          %scan3A_83 = arith.constant 1 : i32
          %scan3A_84 = scf.for %scan3A_89 = %scan3A_80 to %scan3A_82 step %scan3A_83 iter_args(%scan3A_90 = %scan3A_79) -> (i32)  : i32 {
            %mul3A_91 = arith.constant 32 : i32
            %mul3A_92 = arith.muli %add3A_78, %mul3A_91 : i32
            %add3A_93 = arith.constant 0 : i32
            %add3A_94 = arith.addi %mul3A_92, %add3A_93 : i32
            %get3A = arith.index_cast %scan3A_89 : i32 to index
            %get3A_95 = arith.index_cast %add3A_94 : i32 to index
            %get3A_96 = tpu.vector_load %arg5[%get3A, %get3A_95] {strides = array<i32>} : memref<50x512xi32, #tpu.memory_space<vmem>>, vector<1x16xi32>,
            %get3A_97 = vector.shape_cast %get3A_96 : vector<1x16xi32> to vector<16xi32>
            %shift_right_arithmetic3A = arith.constant 15 : i32
            %shift_right_arithmetic3A_98 = vector.broadcast %shift_right_arithmetic3A : i32 to vector<16xi32>
            %shift_right_arithmetic3A_99 = arith.shrsi %get3A_97, %shift_right_arithmetic3A_98 : vector<16xi32>
            %shift_left3A = arith.constant 12 : i32
            %shift_left3A_100 = vector.broadcast %shift_left3A : i32 to vector<16xi32>
            %shift_left3A_101 = arith.shli %shift_right_arithmetic3A_99, %shift_left3A_100 : vector<16xi32>
            %and3A = arith.constant 4095 : i32
            %and3A_102 = vector.broadcast %and3A : i32 to vector<16xi32>
            %and3A_103 = arith.andi %get3A_97, %and3A_102 : vector<16xi32>
            %or3A = arith.ori %shift_left3A_101, %and3A_103 : vector<16xi32>
            %shift_left3A_104 = arith.constant 3 : i32
            %shift_left3A_105 = vector.broadcast %shift_left3A_104 : i32 to vector<16xi32>
            %shift_left3A_106 = arith.shli %or3A, %shift_left3A_105 : vector<16xi32>
            %shift_right_arithmetic3A_107 = arith.constant 12 : i32
            %shift_right_arithmetic3A_108 = vector.broadcast %shift_right_arithmetic3A_107 : i32 to vector<16xi32>
            %shift_right_arithmetic3A_109 = arith.shrsi %get3A_97, %shift_right_arithmetic3A_108 : vector<16xi32>
            %and3A_110 = arith.constant 7 : i32
            %and3A_111 = vector.broadcast %and3A_110 : i32 to vector<16xi32>
            %and3A_112 = arith.andi %shift_right_arithmetic3A_109, %and3A_111 : vector<16xi32>
            %or3A_113 = arith.ori %shift_left3A_106, %and3A_112 : vector<16xi32>
            %mul3A_114 = arith.constant 32 : i32
            %mul3A_115 = arith.muli %scan3A_89, %mul3A_114 : i32
            %add3A_116 = arith.constant 0 : i32
            %add3A_117 = arith.addi %mul3A_115, %add3A_116 : i32
            %swap3A = arith.index_cast %add3A_117 : i32 to index
            %swap3A_118 = tpu.vector_load %arg9[%swap3A] {strides = array<i32>} : memref<1600xi32, #tpu.memory_space<vmem>>, vector<16xi32>,
            %swap3A_119 = vector.shape_cast %swap3A_118 : vector<16xi32> to vector<16xi32>
            %swap3A_120 = vector.shape_cast %or3A_113 : vector<16xi32> to vector<16xi32>
            tpu.vector_store %arg9[%swap3A], %swap3A_120 {strides = array<i32>} : memref<1600xi32, #tpu.memory_space<vmem>>, vector<16xi32>,
            %mul3A_121 = arith.constant 32 : i32
            %mul3A_122 = arith.muli %add3A_78, %mul3A_121 : i32
            %add3A_123 = arith.constant 16 : i32
            %add3A_124 = arith.addi %mul3A_122, %add3A_123 : i32
            %get3A_125 = arith.index_cast %scan3A_89 : i32 to index
            %get3A_126 = arith.index_cast %add3A_124 : i32 to index
            %get3A_127 = tpu.vector_load %arg5[%get3A_125, %get3A_126] {strides = array<i32>} : memref<50x512xi32, #tpu.memory_space<vmem>>, vector<1x16xi32>,
            %get3A_128 = vector.shape_cast %get3A_127 : vector<1x16xi32> to vector<16xi32>
            %shift_right_arithmetic3A_129 = arith.constant 15 : i32
            %shift_right_arithmetic3A_130 = vector.broadcast %shift_right_arithmetic3A_129 : i32 to vector<16xi32>
            %shift_right_arithmetic3A_131 = arith.shrsi %get3A_128, %shift_right_arithmetic3A_130 : vector<16xi32>
            %shift_left3A_132 = arith.constant 12 : i32
            %shift_left3A_133 = vector.broadcast %shift_left3A_132 : i32 to vector<16xi32>
            %shift_left3A_134 = arith.shli %shift_right_arithmetic3A_131, %shift_left3A_133 : vector<16xi32>
            %and3A_135 = arith.constant 4095 : i32
            %and3A_136 = vector.broadcast %and3A_135 : i32 to vector<16xi32>
            %and3A_137 = arith.andi %get3A_128, %and3A_136 : vector<16xi32>
            %or3A_138 = arith.ori %shift_left3A_134, %and3A_137 : vector<16xi32>
            %shift_left3A_139 = arith.constant 3 : i32
            %shift_left3A_140 = vector.broadcast %shift_left3A_139 : i32 to vector<16xi32>
            %shift_left3A_141 = arith.shli %or3A_138, %shift_left3A_140 : vector<16xi32>
            %shift_right_arithmetic3A_142 = arith.constant 12 : i32
            %shift_right_arithmetic3A_143 = vector.broadcast %shift_right_arithmetic3A_142 : i32 to vector<16xi32>
            %shift_right_arithmetic3A_144 = arith.shrsi %get3A_128, %shift_right_arithmetic3A_143 : vector<16xi32>
            %and3A_145 = arith.constant 7 : i32
            %and3A_146 = vector.broadcast %and3A_145 : i32 to vector<16xi32>
            %and3A_147 = arith.andi %shift_right_arithmetic3A_144, %and3A_146 : vector<16xi32>
            %or3A_148 = arith.ori %shift_left3A_141, %and3A_147 : vector<16xi32>
            %mul3A_149 = arith.constant 32 : i32
            %mul3A_150 = arith.muli %scan3A_89, %mul3A_149 : i32
            %add3A_151 = arith.constant 16 : i32
            %add3A_152 = arith.addi %mul3A_150, %add3A_151 : i32
            %swap3A_153 = arith.index_cast %add3A_152 : i32 to index
            %swap3A_154 = tpu.vector_load %arg9[%swap3A_153] {strides = array<i32>} : memref<1600xi32, #tpu.memory_space<vmem>>, vector<16xi32>,
            %swap3A_155 = vector.shape_cast %swap3A_154 : vector<16xi32> to vector<16xi32>
            %swap3A_156 = vector.shape_cast %or3A_148 : vector<16xi32> to vector<16xi32>
            tpu.vector_store %arg9[%swap3A_153], %swap3A_156 {strides = array<i32>} : memref<1600xi32, #tpu.memory_space<vmem>>, vector<16xi32>,
            %scan3A_157 = arith.constant 0 : i32
            scf.yield %scan3A_157 : i32
          }
          %scan3A_85 = arith.constant 50 : i32
          %dma_start3A_86 = arith.constant 0 : i32
          %dma_start3A_87 = arith.constant 0 : i32
          %dma_start3A_88 = tpu.memref_slice %arg3[%dma_start3A_86, %dma_start3A_87] : memref<1015808x16xf32, #tpu.memory_space<hbm>> -> memref<1015808x16xf32, #tpu.memory_space<hbm>>
          tpu.enqueue_indirect_dma source(%dma_start3A_88 : memref<1015808x16xf32, #tpu.memory_space<hbm>>) target(%arg12 : memref<1600x16xf32, #tpu.memory_space<vmem>>) offsets(%arg9 : memref<1600xi32, #tpu.memory_space<vmem>>) semaphore(%arg15 : memref<!tpu.dma_semaphore, #tpu.memory_space<semaphore_mem>>)
        } else {
        }
      } else {
      }
    }
    %scan3A_35 = arith.constant 6 : i32
    %mul3A_36 = arith.constant 512 : i32
    %mul3A_37 = arith.muli %add3A, %mul3A_36 : i32
    "tpu.region"() ({
      %run_scoped3A = tpu.sem_alloc : memref<!tpu.dma_semaphore, #tpu.memory_space<semaphore_mem>>
      %dma_start3A_38 = arith.constant 0 : i32
      %dma_start3A_39 = tpu.memref_slice %arg4[%mul3A_37, %dma_start3A_38] : memref<16384x16xf32, #tpu.memory_space<hbm>> -> memref<512x16xf32, #tpu.memory_space<hbm>>
      %dma_start3A_40 = arith.constant 0 : i32
      %dma_start3A_41 = tpu.memref_slice %arg4[%mul3A_37, %dma_start3A_40] : memref<16384x16xf32, #tpu.memory_space<hbm>> -> memref<512x16xf32, #tpu.memory_space<hbm>>
      tpu.enqueue_dma source(%arg6 : memref<512x16xf32, #tpu.memory_space<vmem>>) target(%dma_start3A_41 : memref<512x16xf32, #tpu.memory_space<hbm>>) target_semaphore(%run_scoped3A : memref<!tpu.dma_semaphore, #tpu.memory_space<semaphore_mem>>)
      %dma_wait3A = arith.constant 0 : i32
      %dma_wait3A_42 = tpu.memref_slice %arg4[%mul3A_37, %dma_wait3A] : memref<16384x16xf32, #tpu.memory_space<hbm>> -> memref<512x16xf32, #tpu.memory_space<hbm>>
      %dma_wait3A_43 = arith.constant 0 : i32
      %dma_wait3A_44 = tpu.memref_slice %arg4[%mul3A_37, %dma_wait3A_43] : memref<16384x16xf32, #tpu.memory_space<hbm>> -> memref<512x16xf32, #tpu.memory_space<hbm>>
      tpu.wait_dma2 semaphore(%run_scoped3A : memref<!tpu.dma_semaphore, #tpu.memory_space<semaphore_mem>>) src(%arg6 : memref<512x16xf32, #tpu.memory_space<vmem>>) dst(%dma_wait3A_44 : memref<512x16xf32, #tpu.memory_space<hbm>>)
      tpu.yield
    }) : () -> ()
    return
  }
}

module attributes {stable_mosaic.version = 14 : i64} {
  func.func @_fold_body(%arg0: i32, %arg1: memref<64x32768xf32, #tpu.memory_space<vmem>>, %arg2: memref<512x128xbf16, #tpu.memory_space<vmem>>, %arg3: memref<4096x128xf32, #tpu.memory_space<vmem>>) attributes {dimension_semantics = [#tpu.dimension_semantics<arbitrary>], iteration_bounds = array<i64: 31>, scalar_prefetch = 0 : i64, scratch_operands = 0 : i64, tpu.core_type = #tpu.core_type<tc>, window_params = [{transform_indices = @transform_0, window_bounds = array<i64: 64, 32768>}, {pipeline_mode = #tpu.pipeline_mode<synchronous>, transform_indices = @transform_1, window_bounds = array<i64: 512, 128>}, {transform_indices = @transform_2, window_bounds = array<i64: 4096, 128>}]} {
    %get3A = arith.constant 0 : index
    %get3A_0 = arith.constant 0 : index
    %get3A_1 = vector.load %arg1[%get3A, %get3A_0] : memref<64x32768xf32, #tpu.memory_space<vmem>>, vector<64x32768xf32>
    %convert_element_type3A = arith.truncf %get3A_1 : vector<64x32768xf32> to vector<64x32768xbf16>
    %transpose3A = tpu.transpose %convert_element_type3A, [1, 0] : vector<64x32768xbf16> -> vector<32768x64xbf16>
    %slice3A = vector.extract_strided_slice %transpose3A {offsets = [0, 0], sizes = [4096, 64], strides = [1, 1]} : vector<32768x64xbf16> to vector<4096x64xbf16>
    %get3A_2 = arith.constant 0 : index
    %get3A_3 = arith.constant 0 : index
    %get3A_4 = vector.load %arg2[%get3A_2, %get3A_3] : memref<512x128xbf16, #tpu.memory_space<vmem>>, vector<64x128xbf16>
    %dot_general3A = arith.constant dense<0.000000e+00> : vector<4096x128xf32>
    %dot_general3A_5 = tpu.matmul %slice3A, %get3A_4, %dot_general3A {dimension_numbers = #tpu.dot_dimension_numbers<[1], [0], [0], [1], [0, 0, 1, 1], [], []>, transpose_lhs_hint = false} : vector<4096x64xbf16>, vector<64x128xbf16>, vector<4096x128xf32> -> vector<4096x128xf32>
    %slice3A_6 = vector.extract_strided_slice %dot_general3A_5 {offsets = [0, 0], sizes = [4096, 16], strides = [1, 1]} : vector<4096x128xf32> to vector<4096x16xf32>
    %swap3A = arith.constant 0 : index
    %swap3A_7 = arith.constant 0 : index
    %swap3A_8 = vector.load %arg3[%swap3A, %swap3A_7] : memref<4096x128xf32, #tpu.memory_space<vmem>>, vector<4096x16xf32>
    tpu.vector_store %arg3[%swap3A, %swap3A_7], %slice3A_6 {strides = array<i32>} : memref<4096x128xf32, #tpu.memory_space<vmem>>, vector<4096x16xf32>,
    %slice3A_9 = vector.extract_strided_slice %transpose3A {offsets = [4096, 0], sizes = [4096, 64], strides = [1, 1]} : vector<32768x64xbf16> to vector<4096x64xbf16>
    %get3A_10 = arith.constant 64 : index
    %get3A_11 = arith.constant 0 : index
    %get3A_12 = vector.load %arg2[%get3A_10, %get3A_11] : memref<512x128xbf16, #tpu.memory_space<vmem>>, vector<64x128xbf16>
    %dot_general3A_13 = arith.constant dense<0.000000e+00> : vector<4096x128xf32>
    %dot_general3A_14 = tpu.matmul %slice3A_9, %get3A_12, %dot_general3A_13 {dimension_numbers = #tpu.dot_dimension_numbers<[1], [0], [0], [1], [0, 0, 1, 1], [], []>, transpose_lhs_hint = false} : vector<4096x64xbf16>, vector<64x128xbf16>, vector<4096x128xf32> -> vector<4096x128xf32>
    %slice3A_15 = vector.extract_strided_slice %dot_general3A_14 {offsets = [0, 16], sizes = [4096, 16], strides = [1, 1]} : vector<4096x128xf32> to vector<4096x16xf32>
    %swap3A_16 = arith.constant 0 : index
    %swap3A_17 = arith.constant 16 : index
    %swap3A_18 = vector.load %arg3[%swap3A_16, %swap3A_17] : memref<4096x128xf32, #tpu.memory_space<vmem>>, vector<4096x16xf32>
    tpu.vector_store %arg3[%swap3A_16, %swap3A_17], %slice3A_15 {strides = array<i32>} : memref<4096x128xf32, #tpu.memory_space<vmem>>, vector<4096x16xf32>,
    %slice3A_19 = vector.extract_strided_slice %transpose3A {offsets = [8192, 0], sizes = [4096, 64], strides = [1, 1]} : vector<32768x64xbf16> to vector<4096x64xbf16>
    %get3A_20 = arith.constant 128 : index
    %get3A_21 = arith.constant 0 : index
    %get3A_22 = vector.load %arg2[%get3A_20, %get3A_21] : memref<512x128xbf16, #tpu.memory_space<vmem>>, vector<64x128xbf16>
    %dot_general3A_23 = arith.constant dense<0.000000e+00> : vector<4096x128xf32>
    %dot_general3A_24 = tpu.matmul %slice3A_19, %get3A_22, %dot_general3A_23 {dimension_numbers = #tpu.dot_dimension_numbers<[1], [0], [0], [1], [0, 0, 1, 1], [], []>, transpose_lhs_hint = false} : vector<4096x64xbf16>, vector<64x128xbf16>, vector<4096x128xf32> -> vector<4096x128xf32>
    %slice3A_25 = vector.extract_strided_slice %dot_general3A_24 {offsets = [0, 32], sizes = [4096, 16], strides = [1, 1]} : vector<4096x128xf32> to vector<4096x16xf32>
    %swap3A_26 = arith.constant 0 : index
    %swap3A_27 = arith.constant 32 : index
    %swap3A_28 = vector.load %arg3[%swap3A_26, %swap3A_27] : memref<4096x128xf32, #tpu.memory_space<vmem>>, vector<4096x16xf32>
    tpu.vector_store %arg3[%swap3A_26, %swap3A_27], %slice3A_25 {strides = array<i32>} : memref<4096x128xf32, #tpu.memory_space<vmem>>, vector<4096x16xf32>,
    %slice3A_29 = vector.extract_strided_slice %transpose3A {offsets = [12288, 0], sizes = [4096, 64], strides = [1, 1]} : vector<32768x64xbf16> to vector<4096x64xbf16>
    %get3A_30 = arith.constant 192 : index
    %get3A_31 = arith.constant 0 : index
    %get3A_32 = vector.load %arg2[%get3A_30, %get3A_31] : memref<512x128xbf16, #tpu.memory_space<vmem>>, vector<64x128xbf16>
    %dot_general3A_33 = arith.constant dense<0.000000e+00> : vector<4096x128xf32>
    %dot_general3A_34 = tpu.matmul %slice3A_29, %get3A_32, %dot_general3A_33 {dimension_numbers = #tpu.dot_dimension_numbers<[1], [0], [0], [1], [0, 0, 1, 1], [], []>, transpose_lhs_hint = false} : vector<4096x64xbf16>, vector<64x128xbf16>, vector<4096x128xf32> -> vector<4096x128xf32>
    %slice3A_35 = vector.extract_strided_slice %dot_general3A_34 {offsets = [0, 48], sizes = [4096, 16], strides = [1, 1]} : vector<4096x128xf32> to vector<4096x16xf32>
    %swap3A_36 = arith.constant 0 : index
    %swap3A_37 = arith.constant 48 : index
    %swap3A_38 = vector.load %arg3[%swap3A_36, %swap3A_37] : memref<4096x128xf32, #tpu.memory_space<vmem>>, vector<4096x16xf32>
    tpu.vector_store %arg3[%swap3A_36, %swap3A_37], %slice3A_35 {strides = array<i32>} : memref<4096x128xf32, #tpu.memory_space<vmem>>, vector<4096x16xf32>,
    %slice3A_39 = vector.extract_strided_slice %transpose3A {offsets = [16384, 0], sizes = [4096, 64], strides = [1, 1]} : vector<32768x64xbf16> to vector<4096x64xbf16>
    %get3A_40 = arith.constant 256 : index
    %get3A_41 = arith.constant 0 : index
    %get3A_42 = vector.load %arg2[%get3A_40, %get3A_41] : memref<512x128xbf16, #tpu.memory_space<vmem>>, vector<64x128xbf16>
    %dot_general3A_43 = arith.constant dense<0.000000e+00> : vector<4096x128xf32>
    %dot_general3A_44 = tpu.matmul %slice3A_39, %get3A_42, %dot_general3A_43 {dimension_numbers = #tpu.dot_dimension_numbers<[1], [0], [0], [1], [0, 0, 1, 1], [], []>, transpose_lhs_hint = false} : vector<4096x64xbf16>, vector<64x128xbf16>, vector<4096x128xf32> -> vector<4096x128xf32>
    %slice3A_45 = vector.extract_strided_slice %dot_general3A_44 {offsets = [0, 64], sizes = [4096, 16], strides = [1, 1]} : vector<4096x128xf32> to vector<4096x16xf32>
    %swap3A_46 = arith.constant 0 : index
    %swap3A_47 = arith.constant 64 : index
    %swap3A_48 = vector.load %arg3[%swap3A_46, %swap3A_47] : memref<4096x128xf32, #tpu.memory_space<vmem>>, vector<4096x16xf32>
    tpu.vector_store %arg3[%swap3A_46, %swap3A_47], %slice3A_45 {strides = array<i32>} : memref<4096x128xf32, #tpu.memory_space<vmem>>, vector<4096x16xf32>,
    %slice3A_49 = vector.extract_strided_slice %transpose3A {offsets = [20480, 0], sizes = [4096, 64], strides = [1, 1]} : vector<32768x64xbf16> to vector<4096x64xbf16>
    %get3A_50 = arith.constant 320 : index
    %get3A_51 = arith.constant 0 : index
    %get3A_52 = vector.load %arg2[%get3A_50, %get3A_51] : memref<512x128xbf16, #tpu.memory_space<vmem>>, vector<64x128xbf16>
    %dot_general3A_53 = arith.constant dense<0.000000e+00> : vector<4096x128xf32>
    %dot_general3A_54 = tpu.matmul %slice3A_49, %get3A_52, %dot_general3A_53 {dimension_numbers = #tpu.dot_dimension_numbers<[1], [0], [0], [1], [0, 0, 1, 1], [], []>, transpose_lhs_hint = false} : vector<4096x64xbf16>, vector<64x128xbf16>, vector<4096x128xf32> -> vector<4096x128xf32>
    %slice3A_55 = vector.extract_strided_slice %dot_general3A_54 {offsets = [0, 80], sizes = [4096, 16], strides = [1, 1]} : vector<4096x128xf32> to vector<4096x16xf32>
    %swap3A_56 = arith.constant 0 : index
    %swap3A_57 = arith.constant 80 : index
    %swap3A_58 = vector.load %arg3[%swap3A_56, %swap3A_57] : memref<4096x128xf32, #tpu.memory_space<vmem>>, vector<4096x16xf32>
    tpu.vector_store %arg3[%swap3A_56, %swap3A_57], %slice3A_55 {strides = array<i32>} : memref<4096x128xf32, #tpu.memory_space<vmem>>, vector<4096x16xf32>,
    %slice3A_59 = vector.extract_strided_slice %transpose3A {offsets = [24576, 0], sizes = [4096, 64], strides = [1, 1]} : vector<32768x64xbf16> to vector<4096x64xbf16>
    %get3A_60 = arith.constant 384 : index
    %get3A_61 = arith.constant 0 : index
    %get3A_62 = vector.load %arg2[%get3A_60, %get3A_61] : memref<512x128xbf16, #tpu.memory_space<vmem>>, vector<64x128xbf16>
    %dot_general3A_63 = arith.constant dense<0.000000e+00> : vector<4096x128xf32>
    %dot_general3A_64 = tpu.matmul %slice3A_59, %get3A_62, %dot_general3A_63 {dimension_numbers = #tpu.dot_dimension_numbers<[1], [0], [0], [1], [0, 0, 1, 1], [], []>, transpose_lhs_hint = false} : vector<4096x64xbf16>, vector<64x128xbf16>, vector<4096x128xf32> -> vector<4096x128xf32>
    %slice3A_65 = vector.extract_strided_slice %dot_general3A_64 {offsets = [0, 96], sizes = [4096, 16], strides = [1, 1]} : vector<4096x128xf32> to vector<4096x16xf32>
    %swap3A_66 = arith.constant 0 : index
    %swap3A_67 = arith.constant 96 : index
    %swap3A_68 = vector.load %arg3[%swap3A_66, %swap3A_67] : memref<4096x128xf32, #tpu.memory_space<vmem>>, vector<4096x16xf32>
    tpu.vector_store %arg3[%swap3A_66, %swap3A_67], %slice3A_65 {strides = array<i32>} : memref<4096x128xf32, #tpu.memory_space<vmem>>, vector<4096x16xf32>,
    %slice3A_69 = vector.extract_strided_slice %transpose3A {offsets = [28672, 0], sizes = [4096, 64], strides = [1, 1]} : vector<32768x64xbf16> to vector<4096x64xbf16>
    %get3A_70 = arith.constant 448 : index
    %get3A_71 = arith.constant 0 : index
    %get3A_72 = vector.load %arg2[%get3A_70, %get3A_71] : memref<512x128xbf16, #tpu.memory_space<vmem>>, vector<64x128xbf16>
    %dot_general3A_73 = arith.constant dense<0.000000e+00> : vector<4096x128xf32>
    %dot_general3A_74 = tpu.matmul %slice3A_69, %get3A_72, %dot_general3A_73 {dimension_numbers = #tpu.dot_dimension_numbers<[1], [0], [0], [1], [0, 0, 1, 1], [], []>, transpose_lhs_hint = false} : vector<4096x64xbf16>, vector<64x128xbf16>, vector<4096x128xf32> -> vector<4096x128xf32>
    %slice3A_75 = vector.extract_strided_slice %dot_general3A_74 {offsets = [0, 112], sizes = [4096, 16], strides = [1, 1]} : vector<4096x128xf32> to vector<4096x16xf32>
    %swap3A_76 = arith.constant 0 : index
    %swap3A_77 = arith.constant 112 : index
    %swap3A_78 = vector.load %arg3[%swap3A_76, %swap3A_77] : memref<4096x128xf32, #tpu.memory_space<vmem>>, vector<4096x16xf32>
    tpu.vector_store %arg3[%swap3A_76, %swap3A_77], %slice3A_75 {strides = array<i32>} : memref<4096x128xf32, #tpu.memory_space<vmem>>, vector<4096x16xf32>,
    return
  }
  func.func @transform_0(%arg0: i32) -> (i32, i32) {
    %c0_i32 = arith.constant 0 : i32
    %c0_i32_0 = arith.constant 0 : i32
    return %c0_i32, %arg0 : i32, i32
  }
  func.func @transform_1(%arg0: i32) -> (i32, i32) {
    %c0_i32 = arith.constant 0 : i32
    %c0_i32_0 = arith.constant 0 : i32
    %c0_i32_1 = arith.constant 0 : i32
    return %c0_i32, %c0_i32_0 : i32, i32
  }
  func.func @transform_2(%arg0: i32) -> (i32, i32) {
    %c0_i32 = arith.constant 0 : i32
    %c0_i32_0 = arith.constant 0 : i32
    return %arg0, %c0_i32 : i32, i32
  }
}

module attributes {stable_mosaic.version = 14 : i64} {
  func.func @_cls_body(%arg0: i32, %arg1: memref<2048x16xf32, #tpu.memory_space<vmem>>, %arg2: memref<1x5xf32, #tpu.memory_space<vmem>>, %arg3: memref<5x2048xf32, #tpu.memory_space<vmem>>) attributes {dimension_semantics = [#tpu.dimension_semantics<arbitrary>], iteration_bounds = array<i64: 8>, scalar_prefetch = 0 : i64, scratch_operands = 0 : i64, tpu.core_type = #tpu.core_type<tc>, window_params = [{transform_indices = @transform_0, window_bounds = array<i64: 2048, 16>}, {pipeline_mode = #tpu.pipeline_mode<synchronous>, transform_indices = @transform_1, window_bounds = array<i64: 1, 5>}, {transform_indices = @transform_2, window_bounds = array<i64: 5, 2048>}]} {
    %get3A = arith.constant 0 : index
    %get3A_0 = arith.constant 0 : index
    %get3A_1 = vector.load %arg1[%get3A, %get3A_0] : memref<2048x16xf32, #tpu.memory_space<vmem>>, vector<2048x5xf32>
    %mul3A = arith.constant 2.000000e-02 : f32
    %mul3A_2 = vector.broadcast %mul3A : f32 to vector<2048x5xf32>
    %mul3A_3 = arith.mulf %get3A_1, %mul3A_2 : vector<2048x5xf32>
    %get3A_4 = arith.constant 0 : index
    %get3A_5 = arith.constant 0 : index
    %get3A_6 = vector.load %arg2[%get3A_4, %get3A_5] : memref<1x5xf32, #tpu.memory_space<vmem>>, vector<1x5xf32>
    %add3A = vector.broadcast %get3A_6 : vector<1x5xf32> to vector<2048x5xf32>
    %add3A_7 = arith.addf %mul3A_3, %add3A : vector<2048x5xf32>
    %reduce_max3A = arith.constant dense<0xFF800000> : vector<2048xf32>
    %reduce_max3A_8 = vector.multi_reduction <maximumf>, %add3A_7, %reduce_max3A [1] : vector<2048x5xf32> to vector<2048xf32>
    %broadcast_in_dim3A = vector.shape_cast %reduce_max3A_8 : vector<2048xf32> to vector<2048x1xf32>
    %sub3A = vector.broadcast %broadcast_in_dim3A : vector<2048x1xf32> to vector<2048x5xf32>
    %sub3A_9 = arith.subf %add3A_7, %sub3A : vector<2048x5xf32>
    %exp3A = math.exp %sub3A_9 : vector<2048x5xf32>
    %reduce_sum3A = arith.constant dense<0.000000e+00> : vector<2048xf32>
    %reduce_sum3A_10 = vector.multi_reduction <add>, %exp3A, %reduce_sum3A [1] : vector<2048x5xf32> to vector<2048xf32>
    %broadcast_in_dim3A_11 = vector.shape_cast %reduce_sum3A_10 : vector<2048xf32> to vector<2048x1xf32>
    %log3A = math.log %broadcast_in_dim3A_11 : vector<2048x1xf32>
    %add3A_12 = arith.addf %log3A, %broadcast_in_dim3A : vector<2048x1xf32>
    %sub3A_13 = vector.broadcast %add3A_12 : vector<2048x1xf32> to vector<2048x5xf32>
    %sub3A_14 = arith.subf %add3A_7, %sub3A_13 : vector<2048x5xf32>
    %transpose3A = tpu.transpose %sub3A_14, [1, 0] : vector<2048x5xf32> -> vector<5x2048xf32>
    %swap3A = arith.constant 0 : index
    %swap3A_15 = arith.constant 0 : index
    %swap3A_16 = vector.load %arg3[%swap3A, %swap3A_15] : memref<5x2048xf32, #tpu.memory_space<vmem>>, vector<5x2048xf32>
    tpu.vector_store %arg3[%swap3A, %swap3A_15], %transpose3A {strides = array<i32>} : memref<5x2048xf32, #tpu.memory_space<vmem>>, vector<5x2048xf32>,
    return
  }
  func.func @transform_0(%arg0: i32) -> (i32, i32) {
    %c0_i32 = arith.constant 0 : i32
    %c0_i32_0 = arith.constant 0 : i32
    return %arg0, %c0_i32 : i32, i32
  }
  func.func @transform_1(%arg0: i32) -> (i32, i32) {
    %c0_i32 = arith.constant 0 : i32
    %c0_i32_0 = arith.constant 0 : i32
    %c0_i32_1 = arith.constant 0 : i32
    return %c0_i32, %c0_i32_0 : i32, i32
  }
  func.func @transform_2(%arg0: i32) -> (i32, i32) {
    %c0_i32 = arith.constant 0 : i32
    %c0_i32_0 = arith.constant 0 : i32
    return %c0_i32, %arg0 : i32, i32
  }
}

</mosaic_0001>

<sc_bundles>
// kernel: kernel.5.cloned.1.call-start
scs
__scs_entry_jumppad:
0x0: {  	(pc) =	sbr.rel $0x88, $3  }
0x1: {  	(tag) =	ssettag $0x0;
	lr =	simm.s32 $0x1  }
0x2: {  	[smem:$0x3F9D] =	sst lr;
	_ =	strace $0xD0000000  }
0x3: {  	_ = 	snop  }
0x4: {  	_ = 	snop  }
0x5: {  	_ = 	snop  }
0x6: {  	_ = 	snop  }
0x7: {  	_ = 	snop  }
__scs_overlays_trampoline_lowered:
0x8: {  	[smem:$0x3FAC] =	sst s0  }
0x9: {  	[smem:$0x3FAD] =	sst s1  }
0xa: {  	[smem:$0x3FAE] =	sst s2  }
0xb: {  	[smem:$0x3FAF] =	sst s3  }
0xc: {  	[smem:$0x3FB0] =	sst s4  }
0xd: {  	[smem:$0x3FB1] =	sst s5  }
0xe: {  	[smem:$0x3FB2] =	sst s6  }
0xf: {  	[smem:$0x3FB3] =	sst s7  }
0x10: {  	[smem:$0x3FB4] =	sst s8  }
0x11: {  	[smem:$0x3FB5] =	sst s9;
	s0 =	simm.s32 @!p0 $0x0  }
0x12: {  	s1 =	sld [smem:$0x3F9B];
	s0 =	simm.s32 @p0 $0x1  }
0x13: {  	[smem:$0x3FB6] =	sst s0;
	s0 =	simm.s32 @!p1 $0x0  }
0x14: {  	s2 =	sld [smem:$0x3F9A];
	s0 =	simm.s32 @p1 $0x1  }
0x15: {  	[smem:$0x3FB7] =	sst s0;
	s0 =	simm.s32 @!p2 $0x0  }
0x16: {  	s3 =	sld [smem:$0x3FDB];
	s0 =	simm.s32 @p2 $0x1  }
0x17: {  	s4 =	simm.s32 $0x1BF5;
	[smem:$0x3FB9] =	sst s0  }
0x18: {  	s0 =	sld [smem:$0x3F9C];
	_ =	swait.ge [sflag:s4], $0x0  }
0x19: {  	s7 =	sld [smem:$0x3F9D]  }
0x1a: {  	s8 =	sadd.s32 $0xFFFFE003, lr  }
0x1b: {  	s9 =	sadd.s32 $0xFFFFFEF7, lr;
	s5 =	simm.s32 $0xFFFFFFFF;
	p2 =	slt.u32 s8, $0xFFFFF086  }
0x1c: {  	p1 =	slt.u32 s9, $0xF7A;
	s5 =	simm.s32 @!p2 $0x0  }
0x1d: {  	s5 =	simm.s32 @p1 $0x1;
	p0 =	seq.s32 s7, s2  }
0x1e: {  	s7 =	smul.u32 @!p0 $0xF7A, s2;
	p2 =	seq.s32 @!p0 s5, $0x0  }
0x1f: {  	s9 =	smul.u32 $0xF7A, s1;
	s8 =	simm.s32 @!p0 $0x1BF5;
	p2 =	por !p2, p0  }
0x20: {  	[sflag:s8] =	ssyncset.s32 @!p0 $0xFFFFF086;
	s6 =	sadd.s32 @!p0 s3, s7;
	s7 =	simm.s32 @!p0 $0x108  }
0x21: {  	s3 =	sadd.s32 s3, s9;
	s6 =	sadd.s32 @!p0 $0x88, s6;
	s7 =	simm.s32 @p2 $0x1082  }
0x22: {  	[simem:s7], [sflag:s8] =	dma.local @!p0 [hbm:s6], $0xF7A  }
0x23: {  	s9 =	sor.u32 $0xD0000000, s2;
	s6 =	simm.s32 $0x108;
	_ =	swait.ge @!p0 [sflag:s8], $0x0  }
0x24: {  	s3 =	sadd.s32 $0x88, s3;
	s6 =	simm.s32 @!p1 $0x1082;
	[sflag:s4] =	ssyncset.s32 $0xFFFFF086  }
0x25: {  	[simem:s6], [sflag:s4] =	dma.local [hbm:s3], $0xF7A  }
0x26: {  	[smem:$0x3F9D] =	sst s1;
	(tag) =	ssettag s2;
	_ =	strace s9  }
0x27: {  	s1 =	sld [smem:$0x3FAD]  }
0x28: {  	s2 =	sld [smem:$0x3FAE]  }
0x29: {  	s4 =	sld [smem:$0x3FB0]  }
0x2a: {  	p0 =	seq.s32 s5, $0x0;
	s5 =	sld [smem:$0x3FB1]  }
0x2b: {  	s6 =	sld [smem:$0x3FB2]  }
0x2c: {  	s7 =	sld [smem:$0x3FB3]  }
0x2d: {  	s3 =	simm.s32 $0x108;
	s8 =	sld [smem:$0x3FB4]  }
0x2e: {  	s3 =	simm.s32 @!p0 $0x1082;
	s9 =	sld [smem:$0x3FB5]  }
0x2f: {  	lr =	sadd.s32 s0, s3;
	s0 =	sld [smem:$0x3FAC]  }
0x30: {  	s3 =	sld [smem:$0x3FAF]  }
0x31: {  	[smem:$0x3FB8] =	sst s10  }
0x32: {  	s10 =	sld [smem:$0x3FB6];
	_ =	sdelay $0x3  }
0x33: {  	p0 =	seq.s32 s10, $0x1;
	s10 =	sld [smem:$0x3FB8];
	_ =	sdelay $0x3  }
0x34: {  	[smem:$0x3FB8] =	sst s10  }
0x35: {  	s10 =	sld [smem:$0x3FB7];
	_ =	sdelay $0x3  }
0x36: {  	p1 =	seq.s32 s10, $0x1;
	s10 =	sld [smem:$0x3FB8];
	_ =	sdelay $0x3  }
0x37: {  	[smem:$0x3FB8] =	sst s10  }
0x38: {  	s10 =	sld [smem:$0x3FB9]  }
0x39: {  	_ = 	snop;
	(pc) =	sbr.ind lr, $3  }
0x3a: {  	_ = 	snop  }
0x3b: {  	_ = 	snop  }
0x3c: {  	p2 =	seq.s32 s10, $0x1;
	s10 =	sld [smem:$0x3FB8]  }
0x3d: {  	_ =	shalt  }
0x3e: {  	_ =	shalt  }
0x3f: {  	_ =	shalt  }
0x40: {  	_ =	shalt  }
0x41: {  	_ =	shalt  }
0x42: {  	_ =	shalt  }
0x43: {  	_ =	shalt  }
0x44: {  	_ =	shalt  }
0x45: {  	_ =	shalt  }
0x46: {  	_ =	shalt  }
0x47: {  	_ =	shalt  }
0x48: {  	_ =	shalt  }
0x49: {  	_ =	shalt  }
0x4a: {  	_ =	shalt  }
0x4b: {  	_ =	shalt  }
0x4c: {  	_ =	shalt  }
0x4d: {  	_ =	shalt  }
0x4e: {  	_ =	shalt  }
0x4f: {  	_ =	shalt  }
0x50: {  	_ =	shalt  }
0x51: {  	_ =	shalt  }
0x52: {  	_ =	shalt  }
0x53: {  	_ =	shalt  }
0x54: {  	_ =	shalt  }
0x55: {  	_ =	shalt  }
0x56: {  	_ =	shalt  }
0x57: {  	_ =	shalt  }
0x58: {  	_ =	shalt  }
0x59: {  	_ =	shalt  }
0x5a: {  	_ =	shalt  }
0x5b: {  	_ =	shalt  }
0x5c: {  	_ =	shalt  }
0x5d: {  	_ =	shalt  }
0x5e: {  	_ =	shalt  }
0x5f: {  	_ =	shalt  }
0x60: {  	_ =	shalt  }
0x61: {  	_ =	shalt  }
0x62: {  	_ =	shalt  }
0x63: {  	_ =	shalt  }
0x64: {  	_ =	shalt  }
0x65: {  	_ =	shalt  }
0x66: {  	_ =	shalt  }
0x67: {  	_ =	shalt  }
0x68: {  	_ =	shalt  }
0x69: {  	_ =	shalt  }
0x6a: {  	_ =	shalt  }
0x6b: {  	_ =	shalt  }
0x6c: {  	_ =	shalt  }
0x6d: {  	_ =	shalt  }
0x6e: {  	_ =	shalt  }
0x6f: {  	_ =	shalt  }
0x70: {  	_ =	shalt  }
0x71: {  	_ =	shalt  }
0x72: {  	_ =	shalt  }
0x73: {  	_ =	shalt  }
0x74: {  	_ =	shalt  }
0x75: {  	_ =	shalt  }
0x76: {  	_ =	shalt  }
0x77: {  	_ =	shalt  }
0x78: {  	_ =	shalt  }
0x79: {  	_ =	shalt  }
0x7a: {  	_ =	shalt  }
0x7b: {  	_ =	shalt  }
0x7c: {  	_ =	shalt  }
0x7d: {  	_ =	shalt  }
0x7e: {  	_ =	shalt  }
0x7f: {  	_ =	shalt  }
0x80: {  	_ =	shalt  }
0x81: {  	_ =	shalt  }
0x82: {  	_ =	shalt  }
0x83: {  	_ =	shalt  }
0x84: {  	_ =	shalt  }
0x85: {  	_ =	shalt  }
0x86: {  	_ =	shalt  }
0x87: {  	_ =	shalt  }
.Lfunc_end0:
.L_simem_size_0:
called_computation_lowered:
.L_overlay_start_0:
0x88: {  	s2 =	sld [smem:$0x3FD9]  }
0x89: {  	s3 =	sld [smem:$0x3FFE];
	_ =	sdelay $0x1  }
0x8a: {  	s1 =	srdreg.scid  }
0x8b: {  	s0 =	sand.u32 $0x1, s1  }
0x8c: {  	s16 =	sshll.u32 s0, $0xA;
	s2 =	sadd.s32 s3, s2  }
0x8d: {  	s2 =	sadd.s32 s2, s16  }
0x8e: {  	[smem:$0x3FC4] =	sst s2  }
0x8f: {  	_ = 	snop  }
0x90: {  	(tm) =	ssettm $0x1  }
0x91: {  	s17 =	sld [smem:$0x3FFB];
	_ =	sdelay $0x3  }
0x92: {  	_ =	strace s17  }
0x93: {  	s2 =	sld [smem:$0x3FFC];
	_ =	sdelay $0x3  }
0x94: {  	_ =	strace s2  }
0x95: {  	s2 =	sld [smem:$0x3FFD];
	_ =	sdelay $0x3  }
0x96: {  	_ =	strace s2  }
0x97: {  	_ =	strace $0x8FFFFFFF  }
0x98: {  	s18 =	sld [smem:$0x3FDB];
	_ =	sdelay $0x1  }
0x99: {  	s19 =	simm.s32 $_scs_section_size  }
0x9a: {  	s4 =	simm.s32 $_size__tile_overlayer_lowered;
	s5 =	simm.s32 $_tile_overlayer_lowered  }
0x9b: {  	s22 =	simm.s32 $0x1BFF;
	s21 =	sshll.u32 s5, $0x1;
	s2 =	sadd.s32 s19, s18  }
0x9c: {  	s6 =	simm.s32 $0x0;
	s20 =	sshll.u32 s4, $0x1;
	s4 =	sadd.s32 s21, s2  }
0x9d: {  	[timem:s6], [sflag:s22] =	dma.local [hbm:s4], s20  }
0x9e: {  	_ =	swait.ge [sflag:s22], s20  }
0x9f: {  	s3 =	ssub.s32 $0x0, s20;
	[sflag:s22] =	ssyncset.done $0x0  }
0xa0: {  	[sflag:s22] =	ssyncadd.s32 s3;
	_ =	sdelay $0x1  }
0xa1: {  	s23 =	simm.s32 $0x1B8B  }
0xa2: {  	_ =	swait.ge [sflag:s23], $0x1  }
0xa3: {  	[sflag:s23] =	ssyncset.done $0x0  }
0xa4: {  	s25 =	simm.s32 $0x1B8E;
	s24 =	sld [smem:$0x3FFE];
	[sflag:s23] =	ssyncadd.s32 $0xFFFFFFFF  }
0xa5: {  	s26 =	simm.s32 $execute0_lowered;
	[smem:$0x3FD2] =	sst s25  }
0xa6: {  	s4 =	sshll.u32 s26, $0x1;
	_ =	strace $0x80000046;
	[dreg:$0x1] =	wrdreg $0xFFFFFFFF  }
0xa7: {  	s28 =	simm.s32 $_size_execute0_lowered;
	s2 =	sadd.s32 s2, s4;
	[dreg:$0x0] =	wrdreg $0x0  }
0xa8: {  	s4 =	sshll.u32 s28, $0x1;
	[dreg:$0x2] =	wrdreg s2  }
0xa9: {  	[dreg:$0x3] =	wrdreg s4  }
0xaa: {  	[dreg:$0x4] =	wrdreg $0xC0  }
0xab: {  	_ =	task [dreg:s6], $0x5FFFF  }
0xac: {  	[dreg:$0x1] =	wrdreg $0xFFFFFFFF  }
0xad: {  	[dreg:$0x0] =	wrdreg $0x60  }
0xae: {  	[dreg:$0x2] =	wrdreg s24  }
0xaf: {  	[dreg:$0x3] =	wrdreg $0x9  }
0xb0: {  	_ =	task.clear_ibuf [dreg:s6], $0x4FFFF;
	_ =	strace $0x90000046  }
0xb1: {  	s29 =	simm.s32 $0x9;
	_ =	strace $0x80000048  }
0xb2: {  	_ =	swait.ge [sflag:s29], $0x1  }
0xb3: {  	[sflag:s29] =	ssyncadd.s32 $0xFFFFFFFF  }
0xb4: {  	_ =	strace $0x90000048  }
0xb5: {  	_ =	sfence  }
0xb6: {  	s30 =	sld [smem:$0x0];
	_ =	sdelay $0x2  }
0xb7: {  	s31 =	sshll.u32 s1, $0xD;
	s1 =	sshrl.u32 s1, $0x2  }
0xb8: {  	s3 =	sand.u32 $0x4000, s31;
	s1 =	sadd.s32 s1, s30  }
0xb9: {  	s0 =	sor.u32 s3, s0;
	s1 =	sshll.u32 s1, $0x11  }
0xba: {  	s0 =	sor.u32 s1, s0  }
0xbb: {  	s0 =	sadd.s32 $0x8F2B, s0  }
0xbc: {  	[sflag:s0] =	ssyncadd.remote.s32 $0x1  }
0xbd: {  	_ =	sfence.sel $0xFFFF  }
0xbe: {  	[dreg:$0x0] =	wrdreg $0xFFFFFFFF;
	(pc) =	sbr.abs _section_cstart, $3  }
0xbf: {  	[dreg:$0x1] =	wrdreg $0xFFFFFFFF  }
0xc0: {  	_ =	task.clear_ibuf [dreg:s6], $0x2FFFF;
	_ =	strace $0x9FFFFFFF  }
0xc1: {  	(tm) =	ssettm $0x7FFFFFFF  }
tec
execute0_lowered:
.L_overlay_start_1:
0x0: {  	(tag) =	ssettag $0x1  }
0x1: {  	s0 =	rddreg [dreg:$0x0]  }
0x2: {  	s2 =	srdreg.scid;
	s1 =	stileid.u32;
	s8 =	simm.s32 $0x4000  }
0x3: {  	s9 =	simm.s32 $0x4;
	s10 =	simm.s32 $0x640;
	s11 =	simm.s32 $0x8400  }
0x4: {  	s12 =	simm.s32 $0x96C0;
	s13 =	simm.s32 $0x8A40;
	s14 =	simm.s32 $0xFAC0  }
0x5: {  	s15 =	simm.s32 $0x9080;
	s16 =	simm.s32 $0x15EC0;
	s17 =	simm.s32 $0x1  }
0x6: {  	s18 =	simm.s32 $0x6400;
	s19 =	simm.s32 $0x2;
	s20 =	simm.s32 $0x3  }
0x7: {  	s21 =	simm.s32 $0x0;
	s3 =	sand.u32 $0x1, s2;
	s2 =	simm.s32 $0x0  }
0x8: {  	s4 =	sshll.u32 s1, $0xA;
	s5 =	sshll.u32 s3, $0x9;
	[smem:$0x7FF] =	sst s2  }
.Ltmp0:
0x9: {  	s6 =	ssub.s32 $0x2, s3;
	s3 =	sadd.s32 $0x19600, s0;
	(pc) =	sbr.rel .LBB2_1-.Ltmp0, $4  }
0xa: {  	s4 =	sor.u32 s5, s4;
	_ =	strace $0x80000047;
	s7 =	sshrl.u32 s6, $0x1  }
0xb: {  	s5 =	sshrl.u32 s4, $0x3;
	s4 =	sshll.u32 s4, $0x1;
	s6 =	ssub.s32 s6, s7  }
0xc: {  	s7 =	simm.s32 $0x200;
	s5 =	sadd.s32 s5, s0;
	s0 =	sadd.s32 s4, s0  }
0xd: {  	s6 =	smax.u32 s6, $0x1;
	s4 =	sadd.s32 $0x600, s5;
	s5 =	sadd.s32 $0x209600, s0  }
.LBB2_26:
0xe: {  	s21 =	sadd.s32 $0x1, s21  }
0xf: {  	p0 =	sne.s32 s21, s6  }
.Ltmp1:
0x10: {  	_ = 	snop;
	(pc) =	sbr.rel @!p0 .LBB2_27-.Ltmp1, $4  }
0x11: {  	[hbm4b:s5+s2] =	stream.linear.scatter [tilespmem:s18], [sflag:$0x4], $0x2000, $0x38;
	[tilespmem:$0x1C2C0] =	vst v63  }
0x12: {  	_ =	swait.ge [sflag:s9], $0x2000  }
0x13: {  	[sflag:s9] =	ssyncset.done $0x0  }
0x14: {  	[sflag:s9] =	ssyncadd.s32 $0xFFFFE000  }
.LBB2_1:
0x15: {  	[tilespmem:s2], [sflag:$0x4] =	stream.strided.gather [hbm4b:s4+s7], $0x6400, s8, s7, $0x38;
	[tilespmem:$0x1C2C0] =	vst v63  }
0x16: {  	_ =	swait.ge [sflag:s9], $0x6400  }
0x17: {  	[sflag:s9] =	ssyncset.done $0x0  }
0x18: {  	s22 =	simm.s32 $0x10;
	[sflag:s9] =	ssyncadd.s32 $0xFFFF9C00  }
0x19: {  	s24 =	simm.s32 $0x80;
	s23 =	simm.s32 $0x0;
	v0 =	vld [tilespmem:s22+$0xFFFFFFF0]  }
.LBB2_2:
0x1a: {  	p0 =	sne.s32 s24, $0x1880;
	_ =	sdelay $0x3  }
0x1b: {  	v1 =	vshll.u32 v0, $0x3  }
0x1c: {  	v2 =	vand.u32 $0xFFFF8000, v0;
	v0 =	vshrl.u32 v0, $0xC;
	v1 =	vand.u32 $0x7FF8, v1  }
0x1d: {  	v0 =	vand.u32 $0x7, v0;
	v1 =	vor.u32 v2, v1  }
0x1e: {  	s0 =	sshra.s32 s23, $0x2;
	s23 =	smov.u32 s24;
	v0 =	vor.u32 v0, v1  }
0x1f: {  	[tilespmem:s0+$0x8400] =	vst v0  }
0x20: {  	v0 =	vld [tilespmem:s22+$0x0];
	_ =	sdelay $0x4  }
0x21: {  	v1 =	vshll.u32 v0, $0x3  }
.Ltmp2:
0x22: {  	v2 =	vand.u32 $0xFFFF8000, v0;
	v0 =	vshrl.u32 v0, $0xC;
	v1 =	vand.u32 $0x7FF8, v1;
	(pc) =	sbr.rel @p0 .LBB2_2-.Ltmp2, $4  }
0x23: {  	v0 =	vand.u32 $0x7, v0;
	v1 =	vor.u32 v2, v1  }
0x24: {  	v0 =	vor.u32 v0, v1  }
0x25: {  	s22 =	sadd.s32 $0x200, s22;
	[tilespmem:s0+$0x8410] =	vst v0  }
0x26: {  	s24 =	sadd.s32 $0x80, s24;
	v0 =	vld [tilespmem:s22+$0xFFFFFFF0]  }
0x27: {  	_ =	sdelay $0x3  }
0x28: {  	v1 =	vshll.u32 v0, $0x3  }
0x29: {  	v2 =	vand.u32 $0xFFFF8000, v0;
	v0 =	vshrl.u32 v0, $0xC;
	v1 =	vand.u32 $0x7FF8, v1  }
0x2a: {  	v0 =	vand.u32 $0x7, v0;
	v1 =	vor.u32 v2, v1  }
0x2b: {  	s0 =	sshra.s32 s23, $0x2;
	v0 =	vor.u32 v0, v1  }
0x2c: {  	[tilespmem:s0+$0x8400] =	vst v0  }
0x2d: {  	v0 =	vld [tilespmem:s22+$0x0];
	_ =	sdelay $0x4  }
0x2e: {  	v1 =	vshll.u32 v0, $0x3  }
0x2f: {  	v2 =	vand.u32 $0xFFFF8000, v0;
	v0 =	vshrl.u32 v0, $0xC;
	v1 =	vand.u32 $0x7FF8, v1  }
0x30: {  	v0 =	vand.u32 $0x7, v0;
	v1 =	vor.u32 v2, v1  }
0x31: {  	v0 =	vor.u32 v0, v1  }
0x32: {  	s22 =	simm.s32 $0x30;
	[tilespmem:s0+$0x8410] =	vst v0  }
0x33: {  	[tilespmem:s12], [sflag:$0x1] =	stream.indirect.gather [hbm4b:s3+s10], $0x10, s11, s10, $0xb8;
	[tilespmem:$0x1C2C0] =	vst v63  }
0x34: {  	s23 =	simm.s32 $0x0;
	s0 =	simm.s32 $0x80;
	v0 =	vld [tilespmem:s22+$0xFFFFFFF0]  }
.LBB2_4:
0x35: {  	p0 =	sne.s32 s0, $0x1880;
	_ =	sdelay $0x3  }
0x36: {  	v1 =	vshll.u32 v0, $0x3  }
0x37: {  	v2 =	vand.u32 $0xFFFF8000, v0;
	v0 =	vshrl.u32 v0, $0xC;
	v1 =	vand.u32 $0x7FF8, v1  }
0x38: {  	v0 =	vand.u32 $0x7, v0;
	v1 =	vor.u32 v2, v1  }
0x39: {  	s24 =	sshra.s32 s23, $0x2;
	s23 =	smov.u32 s0;
	v0 =	vor.u32 v0, v1  }
0x3a: {  	[tilespmem:s24+$0x8A40] =	vst v0  }
0x3b: {  	v0 =	vld [tilespmem:s22+$0x0];
	_ =	sdelay $0x4  }
0x3c: {  	v1 =	vshll.u32 v0, $0x3  }
.Ltmp3:
0x3d: {  	v2 =	vand.u32 $0xFFFF8000, v0;
	v0 =	vshrl.u32 v0, $0xC;
	v1 =	vand.u32 $0x7FF8, v1;
	(pc) =	sbr.rel @p0 .LBB2_4-.Ltmp3, $4  }
0x3e: {  	v0 =	vand.u32 $0x7, v0;
	v1 =	vor.u32 v2, v1  }
0x3f: {  	v0 =	vor.u32 v0, v1  }
0x40: {  	s22 =	sadd.s32 $0x200, s22;
	[tilespmem:s24+$0x8A50] =	vst v0  }
0x41: {  	s0 =	sadd.s32 $0x80, s0;
	v0 =	vld [tilespmem:s22+$0xFFFFFFF0]  }
0x42: {  	_ =	sdelay $0x3  }
0x43: {  	v1 =	vshll.u32 v0, $0x3  }
0x44: {  	v2 =	vand.u32 $0xFFFF8000, v0;
	v0 =	vshrl.u32 v0, $0xC;
	v1 =	vand.u32 $0x7FF8, v1  }
0x45: {  	v0 =	vand.u32 $0x7, v0;
	v1 =	vor.u32 v2, v1  }
0x46: {  	s0 =	sshra.s32 s23, $0x2;
	v0 =	vor.u32 v0, v1  }
0x47: {  	[tilespmem:s0+$0x8A40] =	vst v0  }
0x48: {  	v0 =	vld [tilespmem:s22+$0x0];
	_ =	sdelay $0x4  }
0x49: {  	v1 =	vshll.u32 v0, $0x3  }
0x4a: {  	v2 =	vand.u32 $0xFFFF8000, v0;
	v0 =	vshrl.u32 v0, $0xC;
	v1 =	vand.u32 $0x7FF8, v1  }
0x4b: {  	v0 =	vand.u32 $0x7, v0;
	v1 =	vor.u32 v2, v1  }
0x4c: {  	v0 =	vor.u32 v0, v1  }
0x4d: {  	s22 =	simm.s32 $0x50;
	[tilespmem:s0+$0x8A50] =	vst v0  }
0x4e: {  	[tilespmem:s14], [sflag:$0x2] =	stream.indirect.gather [hbm4b:s3+s10], $0x10, s13, s10, $0xb8;
	[tilespmem:$0x1C2C0] =	vst v63  }
0x4f: {  	s23 =	simm.s32 $0x0;
	s0 =	simm.s32 $0x80;
	v0 =	vld [tilespmem:s22+$0xFFFFFFF0]  }
.LBB2_6:
0x50: {  	p0 =	sne.s32 s0, $0x1880;
	_ =	sdelay $0x3  }
0x51: {  	v1 =	vshll.u32 v0, $0x3  }
0x52: {  	v2 =	vand.u32 $0xFFFF8000, v0;
	v0 =	vshrl.u32 v0, $0xC;
	v1 =	vand.u32 $0x7FF8, v1  }
0x53: {  	v0 =	vand.u32 $0x7, v0;
	v1 =	vor.u32 v2, v1  }
0x54: {  	s24 =	sshra.s32 s23, $0x2;
	s23 =	smov.u32 s0;
	v0 =	vor.u32 v0, v1  }
0x55: {  	[tilespmem:s24+$0x9080] =	vst v0  }
0x56: {  	v0 =	vld [tilespmem:s22+$0x0];
	_ =	sdelay $0x4  }
0x57: {  	v1 =	vshll.u32 v0, $0x3  }
.Ltmp4:
0x58: {  	v2 =	vand.u32 $0xFFFF8000, v0;
	v0 =	vshrl.u32 v0, $0xC;
	v1 =	vand.u32 $0x7FF8, v1;
	(pc) =	sbr.rel @p0 .LBB2_6-.Ltmp4, $4  }
0x59: {  	v0 =	vand.u32 $0x7, v0;
	v1 =	vor.u32 v2, v1  }
0x5a: {  	v0 =	vor.u32 v0, v1  }
0x5b: {  	s22 =	sadd.s32 $0x200, s22;
	[tilespmem:s24+$0x9090] =	vst v0  }
0x5c: {  	s0 =	sadd.s32 $0x80, s0;
	v0 =	vld [tilespmem:s22+$0xFFFFFFF0]  }
0x5d: {  	_ =	sdelay $0x3  }
0x5e: {  	v1 =	vshll.u32 v0, $0x3  }
0x5f: {  	v2 =	vand.u32 $0xFFFF8000, v0;
	v61 =	vshrl.u32 v0, $0xC;
	v1 =	vand.u32 $0x7FF8, v1  }
0x60: {  	v0 =	vand.u32 $0x7, v61;
	v1 =	vor.u32 v2, v1  }
0x61: {  	s0 =	sshra.s32 s23, $0x2;
	v0 =	vor.u32 v0, v1  }
0x62: {  	[tilespmem:s0+$0x9080] =	vst v0  }
0x63: {  	v0 =	vld [tilespmem:s22+$0x0];
	_ =	sdelay $0x4  }
0x64: {  	v62 =	vshll.u32 v0, $0x3  }
.Ltmp5:
0x65: {  	v63 =	vand.u32 $0xFFFF8000, v0;
	v0 =	vshrl.u32 v0, $0xC;
	v1 =	vand.u32 $0x7FF8, v62;
	(pc) =	sbr.rel .LBB2_8-.Ltmp5, $4  }
0x66: {  	s23 =	simm.s32 $0x6400;
	v0 =	vand.u32 $0x7, v0;
	v1 =	vor.u32 v63, v1  }
0x67: {  	s24 =	simm.s32 $0x70;
	s25 =	simm.s32 $0x6600;
	s26 =	simm.s32 $0x90;
	v0 =	vor.u32 v0, v1  }
0x68: {  	s28 =	simm.s32 $0x6800;
	s29 =	simm.s32 $0xB0;
	s22 =	simm.s32 $0x0;
	[tilespmem:s0+$0x9090] =	vst v0  }
0x69: {  	[tilespmem:s16], [sflag:$0x3] =	stream.indirect.gather [hbm4b:s3+s10], $0x10, s15, s10, $0xb8;
	[tilespmem:$0x1C2C0] =	vst v63  }
.LBB2_25:
0x6a: {  	s22 =	sadd.s32 $0x1, s22  }
0x6b: {  	p0 =	sne.s32 s22, $0x6  }
.Ltmp6:
0x6c: {  	_ = 	snop;
	(pc) =	sbr.rel @!p0 .LBB2_26-.Ltmp6, $3  }
0x6d: {  	_ =	sdelay $0x1  }
0x6e: {  	s23 =	sadd.s32 $0x600, s23;
	s24 =	sadd.s32 $0x60, s24;
	s25 =	sadd.s32 $0x600, s25  }
0x6f: {  	s26 =	sadd.s32 $0x60, s26;
	s28 =	sadd.s32 $0x600, s28;
	s29 =	sadd.s32 $0x60, s29  }
.LBB2_8:
0x70: {  	_ =	swait.ge [sflag:s17], $0x6400  }
0x71: {  	[sflag:s17] =	ssyncset.done $0x0  }
0x72: {  	s30 =	simm.s32 $0x0;
	[sflag:s17] =	ssyncadd.s32 $0xFFFF9C00  }
0x73: {  	v0 =	vld [tilespmem:s30+$0xF6C0]  }
0x74: {  	v2 =	vld [tilespmem:s30+$0xF2C0]  }
0x75: {  	v3 =	vld [tilespmem:s30+$0xEEC0]  }
0x76: {  	v4 =	vld [tilespmem:s30+$0xEAC0]  }
0x77: {  	v5 =	vld [tilespmem:s30+$0xE6C0]  }
0x78: {  	v6 =	vld [tilespmem:s30+$0xE2C0]  }
0x79: {  	v7 =	vld [tilespmem:s30+$0xDEC0]  }
0x7a: {  	v8 =	vld [tilespmem:s30+$0xDAC0]  }
0x7b: {  	v9 =	vld [tilespmem:s30+$0xD6C0]  }
0x7c: {  	v10 =	vld [tilespmem:s30+$0xD2C0]  }
0x7d: {  	v11 =	vld [tilespmem:s30+$0xCEC0]  }
0x7e: {  	v12 =	vld [tilespmem:s30+$0xCAC0]  }
0x7f: {  	v13 =	vld [tilespmem:s30+$0xC6C0]  }
0x80: {  	v14 =	vld [tilespmem:s30+$0xC2C0]  }
0x81: {  	v15 =	vld [tilespmem:s30+$0xBEC0]  }
0x82: {  	v16 =	vld [tilespmem:s30+$0xBAC0]  }
0x83: {  	v17 =	vld [tilespmem:s30+$0xB6C0]  }
0x84: {  	v18 =	vld [tilespmem:s30+$0xB2C0]  }
0x85: {  	v19 =	vld [tilespmem:s30+$0xAEC0]  }
0x86: {  	v20 =	vld [tilespmem:s30+$0xAAC0]  }
0x87: {  	v21 =	vld [tilespmem:s30+$0xA6C0]  }
0x88: {  	v22 =	vld [tilespmem:s30+$0xA2C0]  }
0x89: {  	v23 =	vld [tilespmem:s30+$0x9EC0]  }
0x8a: {  	v24 =	vld [tilespmem:s30+$0x9AC0]  }
0x8b: {  	v1 =	vmov s23;
	s31 =	simm.s32 $0x40;
	v25 =	vld [tilespmem:s30+$0x96C0]  }
.LBB2_9:
0x8c: {  	p0 =	sne.s32 s31, $0x7C0;
	v26 =	vld [tilespmem:s30+$0x98C0]  }
0x8d: {  	v27 =	vld [tilespmem:s30+$0x9CC0]  }
0x8e: {  	v28 =	vld [tilespmem:s30+$0xA0C0]  }
0x8f: {  	v29 =	vld [tilespmem:s30+$0xA4C0]  }
0x90: {  	v30 =	vld [tilespmem:s30+$0xA8C0]  }
0x91: {  	v25 =	vadd.f32 $0.0e+00, v25;
	v26 =	vadd.f32 $0.0e+00, v26;
	v31 =	vld [tilespmem:s30+$0xACC0]  }
0x92: {  	v24 =	vadd.f32 $0.0e+00, v24;
	v27 =	vadd.f32 $0.0e+00, v27;
	v32 =	vld [tilespmem:s30+$0xB0C0]  }
0x93: {  	v23 =	vadd.f32 v23, v25;
	v25 =	vadd.f32 v28, v26;
	v26 =	vld [tilespmem:s30+$0xB4C0]  }
0x94: {  	v22 =	vadd.f32 v22, v24;
	v24 =	vadd.f32 v29, v27;
	v27 =	vld [tilespmem:s30+$0xB8C0]  }
0x95: {  	v21 =	vadd.f32 v21, v23;
	v23 =	vadd.f32 v30, v25;
	v25 =	vld [tilespmem:s30+$0xBCC0]  }
0x96: {  	v20 =	vadd.f32 v20, v22;
	v22 =	vadd.f32 v31, v24;
	v24 =	vld [tilespmem:s30+$0xC0C0]  }
0x97: {  	v19 =	vadd.f32 v19, v21;
	v21 =	vadd.f32 v32, v23;
	v23 =	vld [tilespmem:s30+$0xC4C0]  }
0x98: {  	v18 =	vadd.f32 v18, v20;
	v20 =	vadd.f32 v26, v22;
	v22 =	vld [tilespmem:s30+$0xC8C0]  }
0x99: {  	v17 =	vadd.f32 v17, v19;
	v19 =	vadd.f32 v27, v21;
	v21 =	vld [tilespmem:s30+$0xCCC0]  }
0x9a: {  	v16 =	vadd.f32 v16, v18;
	v18 =	vadd.f32 v25, v20;
	v20 =	vld [tilespmem:s30+$0xD0C0]  }
0x9b: {  	v15 =	vadd.f32 v15, v17;
	v17 =	vadd.f32 v24, v19;
	v19 =	vld [tilespmem:s30+$0xD4C0]  }
0x9c: {  	v14 =	vadd.f32 v14, v16;
	v16 =	vadd.f32 v23, v18;
	v18 =	vld [tilespmem:s30+$0xD8C0]  }
0x9d: {  	v13 =	vadd.f32 v13, v15;
	v15 =	vadd.f32 v22, v17;
	v17 =	vld [tilespmem:s30+$0xDCC0]  }
0x9e: {  	v12 =	vadd.f32 v12, v14;
	v14 =	vadd.f32 v21, v16;
	v16 =	vld [tilespmem:s30+$0xE0C0]  }
0x9f: {  	v11 =	vadd.f32 v11, v13;
	v13 =	vadd.f32 v20, v15;
	v15 =	vld [tilespmem:s30+$0xE4C0]  }
0xa0: {  	v10 =	vadd.f32 v10, v12;
	v12 =	vadd.f32 v19, v14;
	v14 =	vld [tilespmem:s30+$0xE8C0]  }
0xa1: {  	v9 =	vadd.f32 v9, v11;
	v11 =	vadd.f32 v18, v13;
	v13 =	vld [tilespmem:s30+$0xECC0]  }
0xa2: {  	v8 =	vadd.f32 v8, v10;
	v10 =	vadd.f32 v17, v12;
	v12 =	vld [tilespmem:s30+$0xF0C0]  }
0xa3: {  	v7 =	vadd.f32 v7, v9;
	v9 =	vadd.f32 v16, v11;
	v11 =	vld [tilespmem:s30+$0xF4C0]  }
0xa4: {  	v6 =	vadd.f32 v6, v8;
	v8 =	vadd.f32 v15, v10;
	v10 =	vld [tilespmem:s30+$0xF8C0]  }
0xa5: {  	v5 =	vadd.f32 v5, v7;
	v7 =	vadd.f32 v14, v9  }
0xa6: {  	v4 =	vadd.f32 v4, v6;
	v6 =	vadd.f32 v13, v8  }
0xa7: {  	v3 =	vadd.f32 v3, v5;
	v5 =	vadd.f32 v12, v7  }
0xa8: {  	v2 =	vadd.f32 v2, v4;
	v4 =	vadd.f32 v11, v6  }
0xa9: {  	v0 =	vadd.f32 v0, v3;
	v3 =	vadd.f32 v10, v5;
	_ =	sdelay $0x1  }
0xaa: {  	v2 =	vadd.f32 v4, v2;
	v0 =	vadd.f32 v3, v0;
	_ =	sdelay $0x1  }
0xab: {  	v0 =	vadd.f32 v0, v2;
	_ =	sdelay $0x1  }
0xac: {  	[tilespmem:v1+s30+$0x0 ss:$0x1] =	vst.idx.msk $0xffff, v0;
	s30 =	sshra.s32 s31, $0x2  }
0xad: {  	v0 =	vld [tilespmem:s30+$0xF6C0]  }
0xae: {  	v2 =	vld [tilespmem:s30+$0xF2C0]  }
0xaf: {  	v3 =	vld [tilespmem:s30+$0xEEC0]  }
0xb0: {  	v4 =	vld [tilespmem:s30+$0xEAC0]  }
0xb1: {  	v5 =	vld [tilespmem:s30+$0xE6C0]  }
0xb2: {  	v6 =	vld [tilespmem:s30+$0xE2C0]  }
0xb3: {  	v7 =	vld [tilespmem:s30+$0xDEC0]  }
0xb4: {  	v8 =	vld [tilespmem:s30+$0xDAC0]  }
0xb5: {  	v9 =	vld [tilespmem:s30+$0xD6C0]  }
0xb6: {  	v10 =	vld [tilespmem:s30+$0xD2C0]  }
0xb7: {  	v11 =	vld [tilespmem:s30+$0xCEC0]  }
0xb8: {  	v12 =	vld [tilespmem:s30+$0xCAC0]  }
0xb9: {  	v13 =	vld [tilespmem:s30+$0xC6C0]  }
0xba: {  	v14 =	vld [tilespmem:s30+$0xC2C0]  }
0xbb: {  	v15 =	vld [tilespmem:s30+$0xBEC0]  }
0xbc: {  	v16 =	vld [tilespmem:s30+$0xBAC0]  }
0xbd: {  	v17 =	vld [tilespmem:s30+$0xB6C0]  }
0xbe: {  	v18 =	vld [tilespmem:s30+$0xB2C0]  }
0xbf: {  	v19 =	vld [tilespmem:s30+$0xAEC0]  }
0xc0: {  	v20 =	vld [tilespmem:s30+$0xAAC0]  }
.Ltmp7:
0xc1: {  	v21 =	vld [tilespmem:s30+$0xA6C0];
	(pc) =	sbr.rel @p0 .LBB2_9-.Ltmp7, $4  }
0xc2: {  	v22 =	vld [tilespmem:s30+$0xA2C0]  }
0xc3: {  	v23 =	vld [tilespmem:s30+$0x9EC0]  }
0xc4: {  	v24 =	vld [tilespmem:s30+$0x9AC0]  }
0xc5: {  	s31 =	sadd.s32 $0x40, s31;
	v25 =	vld [tilespmem:s30+$0x96C0]  }
0xc6: {  	v26 =	vld [tilespmem:s30+$0x98C0]  }
0xc7: {  	v27 =	vld [tilespmem:s30+$0x9CC0]  }
0xc8: {  	v28 =	vld [tilespmem:s30+$0xA0C0]  }
0xc9: {  	v29 =	vld [tilespmem:s30+$0xA4C0]  }
0xca: {  	v30 =	vld [tilespmem:s30+$0xA8C0]  }
0xcb: {  	v31 =	vld [tilespmem:s30+$0xACC0];
	v25 =	vadd.f32 $0.0e+00, v25;
	v26 =	vadd.f32 $0.0e+00, v26  }
0xcc: {  	v32 =	vld [tilespmem:s30+$0xB0C0];
	v24 =	vadd.f32 $0.0e+00, v24;
	v27 =	vadd.f32 $0.0e+00, v27  }
0xcd: {  	v60 =	vld [tilespmem:s30+$0xB4C0];
	v23 =	vadd.f32 v23, v25;
	v59 =	vadd.f32 v28, v26  }
0xce: {  	v62 =	vld [tilespmem:s30+$0xB8C0];
	v22 =	vadd.f32 v22, v24;
	v61 =	vadd.f32 v29, v27  }
0xcf: {  	v28 =	vld [tilespmem:s30+$0xBCC0];
	v21 =	vadd.f32 v21, v23;
	v63 =	vadd.f32 v30, v59  }
0xd0: {  	v20 =	vadd.f32 v20, v22;
	v29 =	vadd.f32 v31, v61;
	v30 =	vld [tilespmem:s30+$0xC0C0]  }
0xd1: {  	v19 =	vadd.f32 v19, v21;
	v31 =	vadd.f32 v32, v63;
	v32 =	vld [tilespmem:s30+$0xC4C0]  }
0xd2: {  	v34 =	vld [tilespmem:s30+$0xC8C0];
	v18 =	vadd.f32 v18, v20;
	v33 =	vadd.f32 v60, v29  }
0xd3: {  	v36 =	vld [tilespmem:s30+$0xCCC0];
	v17 =	vadd.f32 v17, v19;
	v35 =	vadd.f32 v62, v31  }
0xd4: {  	v38 =	vld [tilespmem:s30+$0xD0C0];
	v16 =	vadd.f32 v16, v18;
	v37 =	vadd.f32 v28, v33  }
0xd5: {  	v40 =	vld [tilespmem:s30+$0xD4C0];
	v15 =	vadd.f32 v15, v17;
	v39 =	vadd.f32 v30, v35  }
0xd6: {  	v42 =	vld [tilespmem:s30+$0xD8C0];
	v14 =	vadd.f32 v14, v16;
	v41 =	vadd.f32 v32, v37  }
0xd7: {  	v44 =	vld [tilespmem:s30+$0xDCC0];
	v13 =	vadd.f32 v13, v15;
	v43 =	vadd.f32 v34, v39  }
0xd8: {  	v46 =	vld [tilespmem:s30+$0xE0C0];
	v12 =	vadd.f32 v12, v14;
	v45 =	vadd.f32 v36, v41  }
0xd9: {  	v48 =	vld [tilespmem:s30+$0xE4C0];
	v11 =	vadd.f32 v11, v13;
	v47 =	vadd.f32 v38, v43  }
0xda: {  	v50 =	vld [tilespmem:s30+$0xE8C0];
	v10 =	vadd.f32 v10, v12;
	v49 =	vadd.f32 v40, v45  }
0xdb: {  	v52 =	vld [tilespmem:s30+$0xECC0];
	v9 =	vadd.f32 v9, v11;
	v51 =	vadd.f32 v42, v47  }
0xdc: {  	v54 =	vld [tilespmem:s30+$0xF0C0];
	v8 =	vadd.f32 v8, v10;
	v53 =	vadd.f32 v44, v49  }
0xdd: {  	v56 =	vld [tilespmem:s30+$0xF4C0];
	v7 =	vadd.f32 v7, v9;
	v55 =	vadd.f32 v46, v51  }
0xde: {  	v58 =	vld [tilespmem:s30+$0xF8C0];
	v6 =	vadd.f32 v6, v8;
	v57 =	vadd.f32 v48, v53  }
0xdf: {  	v5 =	vadd.f32 v5, v7;
	v59 =	vadd.f32 v50, v55  }
0xe0: {  	v4 =	vadd.f32 v4, v6;
	v60 =	vadd.f32 v52, v57  }
0xe1: {  	v3 =	vadd.f32 v3, v5;
	v61 =	vadd.f32 v54, v59  }
0xe2: {  	v2 =	vadd.f32 v2, v4;
	v62 =	vadd.f32 v56, v60  }
0xe3: {  	v0 =	vadd.f32 v0, v3;
	v63 =	vadd.f32 v58, v61  }
0xe4: {  	p0 =	seq.s32 s22, $0x5  }
.Ltmp8:
0xe5: {  	v2 =	vadd.f32 v62, v2;
	v0 =	vadd.f32 v63, v0;
	(pc) =	sbr.rel @p0 .LBB2_26-.Ltmp8, $3  }
0xe6: {  	_ = 	snop  }
0xe7: {  	v0 =	vadd.f32 v0, v2;
	_ =	sdelay $0x1  }
0xe8: {  	[tilespmem:v1+s30+$0x0 ss:$0x1] =	vst.idx.msk $0xffff, v0;
	s30 =	simm.s32 $0x0  }
0xe9: {  	v0 =	vld [tilespmem:s24+$0xFFFFFFF0];
	s0 =	simm.s32 $0x80;
	s31 =	smov.u32 s24  }
.LBB2_12:
0xea: {  	p0 =	sne.s32 s0, $0x1880;
	_ =	sdelay $0x3  }
0xeb: {  	v1 =	vshll.u32 v0, $0x3  }
0xec: {  	v2 =	vand.u32 $0xFFFF8000, v0;
	v0 =	vshrl.u32 v0, $0xC;
	v1 =	vand.u32 $0x7FF8, v1  }
0xed: {  	v0 =	vand.u32 $0x7, v0;
	v1 =	vor.u32 v2, v1  }
0xee: {  	s1 =	sshra.s32 s30, $0x2;
	s30 =	smov.u32 s0;
	v0 =	vor.u32 v0, v1  }
0xef: {  	[tilespmem:s1+$0x8400] =	vst v0  }
0xf0: {  	v0 =	vld [tilespmem:s31+$0x0];
	_ =	sdelay $0x4  }
0xf1: {  	v1 =	vshll.u32 v0, $0x3  }
.Ltmp9:
0xf2: {  	v2 =	vand.u32 $0xFFFF8000, v0;
	v0 =	vshrl.u32 v0, $0xC;
	v1 =	vand.u32 $0x7FF8, v1;
	(pc) =	sbr.rel @p0 .LBB2_12-.Ltmp9, $4  }
0xf3: {  	v0 =	vand.u32 $0x7, v0;
	v1 =	vor.u32 v2, v1  }
0xf4: {  	v0 =	vor.u32 v0, v1  }
0xf5: {  	s31 =	sadd.s32 $0x200, s31;
	[tilespmem:s1+$0x8410] =	vst v0  }
0xf6: {  	s0 =	sadd.s32 $0x80, s0;
	v0 =	vld [tilespmem:s31+$0xFFFFFFF0]  }
0xf7: {  	_ =	sdelay $0x3  }
0xf8: {  	v1 =	vshll.u32 v0, $0x3  }
0xf9: {  	v2 =	vand.u32 $0xFFFF8000, v0;
	v0 =	vshrl.u32 v0, $0xC;
	v1 =	vand.u32 $0x7FF8, v1  }
0xfa: {  	v0 =	vand.u32 $0x7, v0;
	v1 =	vor.u32 v2, v1  }
0xfb: {  	s0 =	sshra.s32 s30, $0x2;
	v0 =	vor.u32 v0, v1  }
0xfc: {  	[tilespmem:s0+$0x8400] =	vst v0  }
0xfd: {  	v0 =	vld [tilespmem:s31+$0x0];
	_ =	sdelay $0x4  }
0xfe: {  	v1 =	vshll.u32 v0, $0x3  }
0xff: {  	v2 =	vand.u32 $0xFFFF8000, v0;
	v0 =	vshrl.u32 v0, $0xC;
	v1 =	vand.u32 $0x7FF8, v1  }
0x100: {  	v0 =	vand.u32 $0x7, v0;
	v1 =	vor.u32 v2, v1  }
0x101: {  	v0 =	vor.u32 v0, v1  }
0x102: {  	[tilespmem:s0+$0x8410] =	vst v0  }
0x103: {  	[tilespmem:s12], [sflag:$0x1] =	stream.indirect.gather [hbm4b:s3+s10], $0x10, s11, s10, $0xb8;
	[tilespmem:$0x1C2C0] =	vst v63  }
0x104: {  	_ =	swait.ge [sflag:s19], $0x6400  }
0x105: {  	[sflag:s19] =	ssyncset.done $0x0  }
0x106: {  	s30 =	simm.s32 $0x0;
	[sflag:s19] =	ssyncadd.s32 $0xFFFF9C00  }
0x107: {  	v0 =	vld [tilespmem:s30+$0x15AC0]  }
0x108: {  	v2 =	vld [tilespmem:s30+$0x156C0]  }
0x109: {  	v3 =	vld [tilespmem:s30+$0x152C0]  }
0x10a: {  	v4 =	vld [tilespmem:s30+$0x14EC0]  }
0x10b: {  	v5 =	vld [tilespmem:s30+$0x14AC0]  }
0x10c: {  	v6 =	vld [tilespmem:s30+$0x146C0]  }
0x10d: {  	v7 =	vld [tilespmem:s30+$0x142C0]  }
0x10e: {  	v8 =	vld [tilespmem:s30+$0x13EC0]  }
0x10f: {  	v9 =	vld [tilespmem:s30+$0x13AC0]  }
0x110: {  	v10 =	vld [tilespmem:s30+$0x136C0]  }
0x111: {  	v11 =	vld [tilespmem:s30+$0x132C0]  }
0x112: {  	v12 =	vld [tilespmem:s30+$0x12EC0]  }
0x113: {  	v13 =	vld [tilespmem:s30+$0x12AC0]  }
0x114: {  	v14 =	vld [tilespmem:s30+$0x126C0]  }
0x115: {  	v15 =	vld [tilespmem:s30+$0x122C0]  }
0x116: {  	v16 =	vld [tilespmem:s30+$0x11EC0]  }
0x117: {  	v17 =	vld [tilespmem:s30+$0x11AC0]  }
0x118: {  	v18 =	vld [tilespmem:s30+$0x116C0]  }
0x119: {  	v19 =	vld [tilespmem:s30+$0x112C0]  }
0x11a: {  	v20 =	vld [tilespmem:s30+$0x10EC0]  }
0x11b: {  	v21 =	vld [tilespmem:s30+$0x10AC0]  }
0x11c: {  	v22 =	vld [tilespmem:s30+$0x106C0]  }
0x11d: {  	v23 =	vld [tilespmem:s30+$0x102C0]  }
0x11e: {  	v24 =	vld [tilespmem:s30+$0xFEC0]  }
0x11f: {  	s31 =	simm.s32 $0x40;
	v1 =	vmov s25;
	v25 =	vld [tilespmem:s30+$0xFAC0]  }
.LBB2_14:
0x120: {  	p0 =	sne.s32 s31, $0x7C0;
	v26 =	vld [tilespmem:s30+$0xFCC0]  }
0x121: {  	v27 =	vld [tilespmem:s30+$0x100C0]  }
0x122: {  	v28 =	vld [tilespmem:s30+$0x104C0]  }
0x123: {  	v29 =	vld [tilespmem:s30+$0x108C0]  }
0x124: {  	v30 =	vld [tilespmem:s30+$0x10CC0]  }
0x125: {  	v25 =	vadd.f32 $0.0e+00, v25;
	v26 =	vadd.f32 $0.0e+00, v26;
	v31 =	vld [tilespmem:s30+$0x110C0]  }
0x126: {  	v24 =	vadd.f32 $0.0e+00, v24;
	v27 =	vadd.f32 $0.0e+00, v27;
	v32 =	vld [tilespmem:s30+$0x114C0]  }
0x127: {  	v23 =	vadd.f32 v23, v25;
	v25 =	vadd.f32 v28, v26;
	v26 =	vld [tilespmem:s30+$0x118C0]  }
0x128: {  	v22 =	vadd.f32 v22, v24;
	v24 =	vadd.f32 v29, v27;
	v27 =	vld [tilespmem:s30+$0x11CC0]  }
0x129: {  	v21 =	vadd.f32 v21, v23;
	v23 =	vadd.f32 v30, v25;
	v25 =	vld [tilespmem:s30+$0x120C0]  }
0x12a: {  	v20 =	vadd.f32 v20, v22;
	v22 =	vadd.f32 v31, v24;
	v24 =	vld [tilespmem:s30+$0x124C0]  }
0x12b: {  	v19 =	vadd.f32 v19, v21;
	v21 =	vadd.f32 v32, v23;
	v23 =	vld [tilespmem:s30+$0x128C0]  }
0x12c: {  	v18 =	vadd.f32 v18, v20;
	v20 =	vadd.f32 v26, v22;
	v22 =	vld [tilespmem:s30+$0x12CC0]  }
0x12d: {  	v17 =	vadd.f32 v17, v19;
	v19 =	vadd.f32 v27, v21;
	v21 =	vld [tilespmem:s30+$0x130C0]  }
0x12e: {  	v16 =	vadd.f32 v16, v18;
	v18 =	vadd.f32 v25, v20;
	v20 =	vld [tilespmem:s30+$0x134C0]  }
0x12f: {  	v15 =	vadd.f32 v15, v17;
	v17 =	vadd.f32 v24, v19;
	v19 =	vld [tilespmem:s30+$0x138C0]  }
0x130: {  	v14 =	vadd.f32 v14, v16;
	v16 =	vadd.f32 v23, v18;
	v18 =	vld [tilespmem:s30+$0x13CC0]  }
0x131: {  	v13 =	vadd.f32 v13, v15;
	v15 =	vadd.f32 v22, v17;
	v17 =	vld [tilespmem:s30+$0x140C0]  }
0x132: {  	v12 =	vadd.f32 v12, v14;
	v14 =	vadd.f32 v21, v16;
	v16 =	vld [tilespmem:s30+$0x144C0]  }
0x133: {  	v11 =	vadd.f32 v11, v13;
	v13 =	vadd.f32 v20, v15;
	v15 =	vld [tilespmem:s30+$0x148C0]  }
0x134: {  	v10 =	vadd.f32 v10, v12;
	v12 =	vadd.f32 v19, v14;
	v14 =	vld [tilespmem:s30+$0x14CC0]  }
0x135: {  	v9 =	vadd.f32 v9, v11;
	v11 =	vadd.f32 v18, v13;
	v13 =	vld [tilespmem:s30+$0x150C0]  }
0x136: {  	v8 =	vadd.f32 v8, v10;
	v10 =	vadd.f32 v17, v12;
	v12 =	vld [tilespmem:s30+$0x154C0]  }
0x137: {  	v7 =	vadd.f32 v7, v9;
	v9 =	vadd.f32 v16, v11;
	v11 =	vld [tilespmem:s30+$0x158C0]  }
0x138: {  	v6 =	vadd.f32 v6, v8;
	v8 =	vadd.f32 v15, v10;
	v10 =	vld [tilespmem:s30+$0x15CC0]  }
0x139: {  	v5 =	vadd.f32 v5, v7;
	v7 =	vadd.f32 v14, v9  }
0x13a: {  	v4 =	vadd.f32 v4, v6;
	v6 =	vadd.f32 v13, v8  }
0x13b: {  	v3 =	vadd.f32 v3, v5;
	v5 =	vadd.f32 v12, v7  }
0x13c: {  	v2 =	vadd.f32 v2, v4;
	v4 =	vadd.f32 v11, v6  }
0x13d: {  	v0 =	vadd.f32 v0, v3;
	v3 =	vadd.f32 v10, v5;
	_ =	sdelay $0x1  }
0x13e: {  	v2 =	vadd.f32 v4, v2;
	v0 =	vadd.f32 v3, v0;
	_ =	sdelay $0x1  }
0x13f: {  	v0 =	vadd.f32 v0, v2;
	_ =	sdelay $0x1  }
0x140: {  	[tilespmem:v1+s30+$0x0 ss:$0x1] =	vst.idx.msk $0xffff, v0;
	s30 =	sshra.s32 s31, $0x2  }
0x141: {  	v0 =	vld [tilespmem:s30+$0x15AC0]  }
0x142: {  	v2 =	vld [tilespmem:s30+$0x156C0]  }
0x143: {  	v3 =	vld [tilespmem:s30+$0x152C0]  }
0x144: {  	v4 =	vld [tilespmem:s30+$0x14EC0]  }
0x145: {  	v5 =	vld [tilespmem:s30+$0x14AC0]  }
0x146: {  	v6 =	vld [tilespmem:s30+$0x146C0]  }
0x147: {  	v7 =	vld [tilespmem:s30+$0x142C0]  }
0x148: {  	v8 =	vld [tilespmem:s30+$0x13EC0]  }
0x149: {  	v9 =	vld [tilespmem:s30+$0x13AC0]  }
0x14a: {  	v10 =	vld [tilespmem:s30+$0x136C0]  }
0x14b: {  	v11 =	vld [tilespmem:s30+$0x132C0]  }
0x14c: {  	v12 =	vld [tilespmem:s30+$0x12EC0]  }
0x14d: {  	v13 =	vld [tilespmem:s30+$0x12AC0]  }
0x14e: {  	v14 =	vld [tilespmem:s30+$0x126C0]  }
0x14f: {  	v15 =	vld [tilespmem:s30+$0x122C0]  }
0x150: {  	v16 =	vld [tilespmem:s30+$0x11EC0]  }
0x151: {  	v17 =	vld [tilespmem:s30+$0x11AC0]  }
0x152: {  	v18 =	vld [tilespmem:s30+$0x116C0]  }
0x153: {  	v19 =	vld [tilespmem:s30+$0x112C0]  }
0x154: {  	v20 =	vld [tilespmem:s30+$0x10EC0]  }
.Ltmp10:
0x155: {  	v21 =	vld [tilespmem:s30+$0x10AC0];
	(pc) =	sbr.rel @p0 .LBB2_14-.Ltmp10, $4  }
0x156: {  	v22 =	vld [tilespmem:s30+$0x106C0]  }
0x157: {  	v23 =	vld [tilespmem:s30+$0x102C0]  }
0x158: {  	v24 =	vld [tilespmem:s30+$0xFEC0]  }
0x159: {  	s31 =	sadd.s32 $0x40, s31;
	v25 =	vld [tilespmem:s30+$0xFAC0]  }
0x15a: {  	v26 =	vld [tilespmem:s30+$0xFCC0]  }
0x15b: {  	v27 =	vld [tilespmem:s30+$0x100C0]  }
0x15c: {  	v28 =	vld [tilespmem:s30+$0x104C0]  }
0x15d: {  	v29 =	vld [tilespmem:s30+$0x108C0]  }
0x15e: {  	v30 =	vld [tilespmem:s30+$0x10CC0]  }
0x15f: {  	v31 =	vld [tilespmem:s30+$0x110C0];
	v25 =	vadd.f32 $0.0e+00, v25;
	v26 =	vadd.f32 $0.0e+00, v26  }
0x160: {  	v32 =	vld [tilespmem:s30+$0x114C0];
	v24 =	vadd.f32 $0.0e+00, v24;
	v27 =	vadd.f32 $0.0e+00, v27  }
0x161: {  	v60 =	vld [tilespmem:s30+$0x118C0];
	v23 =	vadd.f32 v23, v25;
	v59 =	vadd.f32 v28, v26  }
0x162: {  	v62 =	vld [tilespmem:s30+$0x11CC0];
	v22 =	vadd.f32 v22, v24;
	v61 =	vadd.f32 v29, v27  }
0x163: {  	v28 =	vld [tilespmem:s30+$0x120C0];
	v21 =	vadd.f32 v21, v23;
	v63 =	vadd.f32 v30, v59  }
0x164: {  	v20 =	vadd.f32 v20, v22;
	v29 =	vadd.f32 v31, v61;
	v30 =	vld [tilespmem:s30+$0x124C0]  }
0x165: {  	v19 =	vadd.f32 v19, v21;
	v31 =	vadd.f32 v32, v63;
	v32 =	vld [tilespmem:s30+$0x128C0]  }
0x166: {  	v34 =	vld [tilespmem:s30+$0x12CC0];
	v18 =	vadd.f32 v18, v20;
	v33 =	vadd.f32 v60, v29  }
0x167: {  	v36 =	vld [tilespmem:s30+$0x130C0];
	v17 =	vadd.f32 v17, v19;
	v35 =	vadd.f32 v62, v31  }
0x168: {  	v38 =	vld [tilespmem:s30+$0x134C0];
	v16 =	vadd.f32 v16, v18;
	v37 =	vadd.f32 v28, v33  }
0x169: {  	v40 =	vld [tilespmem:s30+$0x138C0];
	v15 =	vadd.f32 v15, v17;
	v39 =	vadd.f32 v30, v35  }
0x16a: {  	v42 =	vld [tilespmem:s30+$0x13CC0];
	v14 =	vadd.f32 v14, v16;
	v41 =	vadd.f32 v32, v37  }
0x16b: {  	v44 =	vld [tilespmem:s30+$0x140C0];
	v13 =	vadd.f32 v13, v15;
	v43 =	vadd.f32 v34, v39  }
0x16c: {  	v46 =	vld [tilespmem:s30+$0x144C0];
	v12 =	vadd.f32 v12, v14;
	v45 =	vadd.f32 v36, v41  }
0x16d: {  	v48 =	vld [tilespmem:s30+$0x148C0];
	v11 =	vadd.f32 v11, v13;
	v47 =	vadd.f32 v38, v43  }
0x16e: {  	v50 =	vld [tilespmem:s30+$0x14CC0];
	v10 =	vadd.f32 v10, v12;
	v49 =	vadd.f32 v40, v45  }
0x16f: {  	v52 =	vld [tilespmem:s30+$0x150C0];
	v9 =	vadd.f32 v9, v11;
	v51 =	vadd.f32 v42, v47  }
0x170: {  	v54 =	vld [tilespmem:s30+$0x154C0];
	v8 =	vadd.f32 v8, v10;
	v53 =	vadd.f32 v44, v49  }
0x171: {  	v56 =	vld [tilespmem:s30+$0x158C0];
	v7 =	vadd.f32 v7, v9;
	v55 =	vadd.f32 v46, v51  }
0x172: {  	v58 =	vld [tilespmem:s30+$0x15CC0];
	v6 =	vadd.f32 v6, v8;
	v57 =	vadd.f32 v48, v53  }
0x173: {  	v5 =	vadd.f32 v5, v7;
	v59 =	vadd.f32 v50, v55  }
0x174: {  	v4 =	vadd.f32 v4, v6;
	v60 =	vadd.f32 v52, v57  }
0x175: {  	v3 =	vadd.f32 v3, v5;
	v61 =	vadd.f32 v54, v59  }
0x176: {  	v2 =	vadd.f32 v2, v4;
	v62 =	vadd.f32 v56, v60  }
0x177: {  	v0 =	vadd.f32 v0, v3;
	v63 =	vadd.f32 v58, v61  }
0x178: {  	p0 =	sgt.u32 s22, $0x3  }
.Ltmp11:
0x179: {  	v2 =	vadd.f32 v62, v2;
	v0 =	vadd.f32 v63, v0;
	(pc) =	sbr.rel @p0 .LBB2_19-.Ltmp11, $3  }
0x17a: {  	_ = 	snop  }
0x17b: {  	v0 =	vadd.f32 v0, v2;
	_ =	sdelay $0x1  }
0x17c: {  	[tilespmem:v1+s30+$0x0 ss:$0x1] =	vst.idx.msk $0xffff, v0;
	s30 =	simm.s32 $0x0  }
0x17d: {  	v0 =	vld [tilespmem:s26+$0xFFFFFFF0];
	s0 =	simm.s32 $0x80;
	s31 =	smov.u32 s26  }
.LBB2_17:
0x17e: {  	p1 =	sne.s32 s0, $0x1880;
	_ =	sdelay $0x3  }
0x17f: {  	v1 =	vshll.u32 v0, $0x3  }
0x180: {  	v2 =	vand.u32 $0xFFFF8000, v0;
	v0 =	vshrl.u32 v0, $0xC;
	v1 =	vand.u32 $0x7FF8, v1  }
0x181: {  	v0 =	vand.u32 $0x7, v0;
	v1 =	vor.u32 v2, v1  }
0x182: {  	s1 =	sshra.s32 s30, $0x2;
	s30 =	smov.u32 s0;
	v0 =	vor.u32 v0, v1  }
0x183: {  	[tilespmem:s1+$0x8A40] =	vst v0  }
0x184: {  	v0 =	vld [tilespmem:s31+$0x0];
	_ =	sdelay $0x4  }
0x185: {  	v1 =	vshll.u32 v0, $0x3  }
.Ltmp12:
0x186: {  	v2 =	vand.u32 $0xFFFF8000, v0;
	v0 =	vshrl.u32 v0, $0xC;
	v1 =	vand.u32 $0x7FF8, v1;
	(pc) =	sbr.rel @p1 .LBB2_17-.Ltmp12, $4  }
0x187: {  	v0 =	vand.u32 $0x7, v0;
	v1 =	vor.u32 v2, v1  }
0x188: {  	v0 =	vor.u32 v0, v1  }
0x189: {  	s31 =	sadd.s32 $0x200, s31;
	[tilespmem:s1+$0x8A50] =	vst v0  }
0x18a: {  	s0 =	sadd.s32 $0x80, s0;
	v0 =	vld [tilespmem:s31+$0xFFFFFFF0]  }
0x18b: {  	_ =	sdelay $0x3  }
0x18c: {  	v1 =	vshll.u32 v0, $0x3  }
0x18d: {  	v2 =	vand.u32 $0xFFFF8000, v0;
	v61 =	vshrl.u32 v0, $0xC;
	v1 =	vand.u32 $0x7FF8, v1  }
0x18e: {  	v0 =	vand.u32 $0x7, v61;
	v1 =	vor.u32 v2, v1  }
0x18f: {  	s0 =	sshra.s32 s30, $0x2;
	v0 =	vor.u32 v0, v1  }
0x190: {  	[tilespmem:s0+$0x8A40] =	vst v0  }
0x191: {  	v0 =	vld [tilespmem:s31+$0x0];
	_ =	sdelay $0x4  }
0x192: {  	v62 =	vshll.u32 v0, $0x3  }
0x193: {  	v63 =	vand.u32 $0xFFFF8000, v0;
	v0 =	vshrl.u32 v0, $0xC;
	v1 =	vand.u32 $0x7FF8, v62  }
0x194: {  	v0 =	vand.u32 $0x7, v0;
	v1 =	vor.u32 v63, v1  }
0x195: {  	v0 =	vor.u32 v0, v1  }
0x196: {  	[tilespmem:s0+$0x8A50] =	vst v0  }
0x197: {  	[tilespmem:s14], [sflag:$0x2] =	stream.indirect.gather [hbm4b:s3+s10], $0x10, s13, s10, $0xb8;
	[tilespmem:$0x1C2C0] =	vst v63  }
.LBB2_19:
0x198: {  	_ =	swait.ge [sflag:s20], $0x6400  }
0x199: {  	[sflag:s20] =	ssyncset.done $0x0  }
0x19a: {  	s30 =	simm.s32 $0x0;
	[sflag:s20] =	ssyncadd.s32 $0xFFFF9C00  }
0x19b: {  	v0 =	vld [tilespmem:s30+$0x1BEC0]  }
0x19c: {  	v2 =	vld [tilespmem:s30+$0x1BAC0]  }
0x19d: {  	v3 =	vld [tilespmem:s30+$0x1B6C0]  }
0x19e: {  	v4 =	vld [tilespmem:s30+$0x1B2C0]  }
0x19f: {  	v5 =	vld [tilespmem:s30+$0x1AEC0]  }
0x1a0: {  	v6 =	vld [tilespmem:s30+$0x1AAC0]  }
0x1a1: {  	v7 =	vld [tilespmem:s30+$0x1A6C0]  }
0x1a2: {  	v8 =	vld [tilespmem:s30+$0x1A2C0]  }
0x1a3: {  	v9 =	vld [tilespmem:s30+$0x19EC0]  }
0x1a4: {  	v10 =	vld [tilespmem:s30+$0x19AC0]  }
0x1a5: {  	v11 =	vld [tilespmem:s30+$0x196C0]  }
0x1a6: {  	v12 =	vld [tilespmem:s30+$0x192C0]  }
0x1a7: {  	v13 =	vld [tilespmem:s30+$0x18EC0]  }
0x1a8: {  	v14 =	vld [tilespmem:s30+$0x18AC0]  }
0x1a9: {  	v15 =	vld [tilespmem:s30+$0x186C0]  }
0x1aa: {  	v16 =	vld [tilespmem:s30+$0x182C0]  }
0x1ab: {  	v17 =	vld [tilespmem:s30+$0x17EC0]  }
0x1ac: {  	v18 =	vld [tilespmem:s30+$0x17AC0]  }
0x1ad: {  	v19 =	vld [tilespmem:s30+$0x176C0]  }
0x1ae: {  	v20 =	vld [tilespmem:s30+$0x172C0]  }
0x1af: {  	v21 =	vld [tilespmem:s30+$0x16EC0]  }
0x1b0: {  	v22 =	vld [tilespmem:s30+$0x16AC0]  }
0x1b1: {  	v23 =	vld [tilespmem:s30+$0x166C0]  }
0x1b2: {  	v24 =	vld [tilespmem:s30+$0x162C0]  }
0x1b3: {  	v1 =	vmov s28;
	s31 =	simm.s32 $0x40;
	v25 =	vld [tilespmem:s30+$0x15EC0]  }
.LBB2_20:
0x1b4: {  	p1 =	sne.s32 s31, $0x7C0;
	v26 =	vld [tilespmem:s30+$0x160C0]  }
0x1b5: {  	v27 =	vld [tilespmem:s30+$0x164C0]  }
0x1b6: {  	v28 =	vld [tilespmem:s30+$0x168C0]  }
0x1b7: {  	v29 =	vld [tilespmem:s30+$0x16CC0]  }
0x1b8: {  	v30 =	vld [tilespmem:s30+$0x170C0]  }
0x1b9: {  	v25 =	vadd.f32 $0.0e+00, v25;
	v26 =	vadd.f32 $0.0e+00, v26;
	v31 =	vld [tilespmem:s30+$0x174C0]  }
0x1ba: {  	v24 =	vadd.f32 $0.0e+00, v24;
	v27 =	vadd.f32 $0.0e+00, v27;
	v32 =	vld [tilespmem:s30+$0x178C0]  }
0x1bb: {  	v23 =	vadd.f32 v23, v25;
	v25 =	vadd.f32 v28, v26;
	v26 =	vld [tilespmem:s30+$0x17CC0]  }
0x1bc: {  	v22 =	vadd.f32 v22, v24;
	v24 =	vadd.f32 v29, v27;
	v27 =	vld [tilespmem:s30+$0x180C0]  }
0x1bd: {  	v21 =	vadd.f32 v21, v23;
	v23 =	vadd.f32 v30, v25;
	v25 =	vld [tilespmem:s30+$0x184C0]  }
0x1be: {  	v20 =	vadd.f32 v20, v22;
	v22 =	vadd.f32 v31, v24;
	v24 =	vld [tilespmem:s30+$0x188C0]  }
0x1bf: {  	v19 =	vadd.f32 v19, v21;
	v21 =	vadd.f32 v32, v23;
	v23 =	vld [tilespmem:s30+$0x18CC0]  }
0x1c0: {  	v18 =	vadd.f32 v18, v20;
	v20 =	vadd.f32 v26, v22;
	v22 =	vld [tilespmem:s30+$0x190C0]  }
0x1c1: {  	v17 =	vadd.f32 v17, v19;
	v19 =	vadd.f32 v27, v21;
	v21 =	vld [tilespmem:s30+$0x194C0]  }
0x1c2: {  	v16 =	vadd.f32 v16, v18;
	v18 =	vadd.f32 v25, v20;
	v20 =	vld [tilespmem:s30+$0x198C0]  }
0x1c3: {  	v15 =	vadd.f32 v15, v17;
	v17 =	vadd.f32 v24, v19;
	v19 =	vld [tilespmem:s30+$0x19CC0]  }
0x1c4: {  	v14 =	vadd.f32 v14, v16;
	v16 =	vadd.f32 v23, v18;
	v18 =	vld [tilespmem:s30+$0x1A0C0]  }
0x1c5: {  	v13 =	vadd.f32 v13, v15;
	v15 =	vadd.f32 v22, v17;
	v17 =	vld [tilespmem:s30+$0x1A4C0]  }
0x1c6: {  	v12 =	vadd.f32 v12, v14;
	v14 =	vadd.f32 v21, v16;
	v16 =	vld [tilespmem:s30+$0x1A8C0]  }
0x1c7: {  	v11 =	vadd.f32 v11, v13;
	v13 =	vadd.f32 v20, v15;
	v15 =	vld [tilespmem:s30+$0x1ACC0]  }
0x1c8: {  	v10 =	vadd.f32 v10, v12;
	v12 =	vadd.f32 v19, v14;
	v14 =	vld [tilespmem:s30+$0x1B0C0]  }
0x1c9: {  	v9 =	vadd.f32 v9, v11;
	v11 =	vadd.f32 v18, v13;
	v13 =	vld [tilespmem:s30+$0x1B4C0]  }
0x1ca: {  	v8 =	vadd.f32 v8, v10;
	v10 =	vadd.f32 v17, v12;
	v12 =	vld [tilespmem:s30+$0x1B8C0]  }
0x1cb: {  	v7 =	vadd.f32 v7, v9;
	v9 =	vadd.f32 v16, v11;
	v11 =	vld [tilespmem:s30+$0x1BCC0]  }
0x1cc: {  	v6 =	vadd.f32 v6, v8;
	v8 =	vadd.f32 v15, v10;
	v10 =	vld [tilespmem:s30+$0x1C0C0]  }
0x1cd: {  	v5 =	vadd.f32 v5, v7;
	v7 =	vadd.f32 v14, v9  }
0x1ce: {  	v4 =	vadd.f32 v4, v6;
	v6 =	vadd.f32 v13, v8  }
0x1cf: {  	v3 =	vadd.f32 v3, v5;
	v5 =	vadd.f32 v12, v7  }
0x1d0: {  	v2 =	vadd.f32 v2, v4;
	v4 =	vadd.f32 v11, v6  }
0x1d1: {  	v0 =	vadd.f32 v0, v3;
	v3 =	vadd.f32 v10, v5;
	_ =	sdelay $0x1  }
0x1d2: {  	v2 =	vadd.f32 v4, v2;
	v0 =	vadd.f32 v3, v0;
	_ =	sdelay $0x1  }
0x1d3: {  	v0 =	vadd.f32 v0, v2;
	_ =	sdelay $0x1  }
0x1d4: {  	[tilespmem:v1+s30+$0x0 ss:$0x1] =	vst.idx.msk $0xffff, v0;
	s30 =	sshra.s32 s31, $0x2  }
0x1d5: {  	v0 =	vld [tilespmem:s30+$0x1BEC0]  }
0x1d6: {  	v2 =	vld [tilespmem:s30+$0x1BAC0]  }
0x1d7: {  	v3 =	vld [tilespmem:s30+$0x1B6C0]  }
0x1d8: {  	v4 =	vld [tilespmem:s30+$0x1B2C0]  }
0x1d9: {  	v5 =	vld [tilespmem:s30+$0x1AEC0]  }
0x1da: {  	v6 =	vld [tilespmem:s30+$0x1AAC0]  }
0x1db: {  	v7 =	vld [tilespmem:s30+$0x1A6C0]  }
0x1dc: {  	v8 =	vld [tilespmem:s30+$0x1A2C0]  }
0x1dd: {  	v9 =	vld [tilespmem:s30+$0x19EC0]  }
0x1de: {  	v10 =	vld [tilespmem:s30+$0x19AC0]  }
0x1df: {  	v11 =	vld [tilespmem:s30+$0x196C0]  }
0x1e0: {  	v12 =	vld [tilespmem:s30+$0x192C0]  }
0x1e1: {  	v13 =	vld [tilespmem:s30+$0x18EC0]  }
0x1e2: {  	v14 =	vld [tilespmem:s30+$0x18AC0]  }
0x1e3: {  	v15 =	vld [tilespmem:s30+$0x186C0]  }
0x1e4: {  	v16 =	vld [tilespmem:s30+$0x182C0]  }
0x1e5: {  	v17 =	vld [tilespmem:s30+$0x17EC0]  }
0x1e6: {  	v18 =	vld [tilespmem:s30+$0x17AC0]  }
0x1e7: {  	v19 =	vld [tilespmem:s30+$0x176C0]  }
0x1e8: {  	v20 =	vld [tilespmem:s30+$0x172C0]  }
.Ltmp13:
0x1e9: {  	v21 =	vld [tilespmem:s30+$0x16EC0];
	(pc) =	sbr.rel @p1 .LBB2_20-.Ltmp13, $4  }
0x1ea: {  	v22 =	vld [tilespmem:s30+$0x16AC0]  }
0x1eb: {  	v23 =	vld [tilespmem:s30+$0x166C0]  }
0x1ec: {  	v24 =	vld [tilespmem:s30+$0x162C0]  }
0x1ed: {  	s31 =	sadd.s32 $0x40, s31;
	v25 =	vld [tilespmem:s30+$0x15EC0]  }
0x1ee: {  	v26 =	vld [tilespmem:s30+$0x160C0]  }
0x1ef: {  	v27 =	vld [tilespmem:s30+$0x164C0]  }
0x1f0: {  	v28 =	vld [tilespmem:s30+$0x168C0]  }
0x1f1: {  	v29 =	vld [tilespmem:s30+$0x16CC0]  }
0x1f2: {  	v30 =	vld [tilespmem:s30+$0x170C0]  }
0x1f3: {  	v31 =	vld [tilespmem:s30+$0x174C0];
	v25 =	vadd.f32 $0.0e+00, v25;
	v26 =	vadd.f32 $0.0e+00, v26  }
0x1f4: {  	v32 =	vld [tilespmem:s30+$0x178C0];
	v24 =	vadd.f32 $0.0e+00, v24;
	v27 =	vadd.f32 $0.0e+00, v27  }
0x1f5: {  	v60 =	vld [tilespmem:s30+$0x17CC0];
	v23 =	vadd.f32 v23, v25;
	v59 =	vadd.f32 v28, v26  }
0x1f6: {  	v62 =	vld [tilespmem:s30+$0x180C0];
	v22 =	vadd.f32 v22, v24;
	v61 =	vadd.f32 v29, v27  }
0x1f7: {  	v28 =	vld [tilespmem:s30+$0x184C0];
	v21 =	vadd.f32 v21, v23;
	v63 =	vadd.f32 v30, v59  }
0x1f8: {  	v20 =	vadd.f32 v20, v22;
	v29 =	vadd.f32 v31, v61;
	v30 =	vld [tilespmem:s30+$0x188C0]  }
0x1f9: {  	v19 =	vadd.f32 v19, v21;
	v31 =	vadd.f32 v32, v63;
	v32 =	vld [tilespmem:s30+$0x18CC0]  }
0x1fa: {  	v34 =	vld [tilespmem:s30+$0x190C0];
	v18 =	vadd.f32 v18, v20;
	v33 =	vadd.f32 v60, v29  }
0x1fb: {  	v36 =	vld [tilespmem:s30+$0x194C0];
	v17 =	vadd.f32 v17, v19;
	v35 =	vadd.f32 v62, v31  }
0x1fc: {  	v38 =	vld [tilespmem:s30+$0x198C0];
	v16 =	vadd.f32 v16, v18;
	v37 =	vadd.f32 v28, v33  }
0x1fd: {  	v40 =	vld [tilespmem:s30+$0x19CC0];
	v15 =	vadd.f32 v15, v17;
	v39 =	vadd.f32 v30, v35  }
0x1fe: {  	v42 =	vld [tilespmem:s30+$0x1A0C0];
	v14 =	vadd.f32 v14, v16;
	v41 =	vadd.f32 v32, v37  }
0x1ff: {  	v44 =	vld [tilespmem:s30+$0x1A4C0];
	v13 =	vadd.f32 v13, v15;
	v43 =	vadd.f32 v34, v39  }
0x200: {  	v46 =	vld [tilespmem:s30+$0x1A8C0];
	v12 =	vadd.f32 v12, v14;
	v45 =	vadd.f32 v36, v41  }
0x201: {  	v48 =	vld [tilespmem:s30+$0x1ACC0];
	v11 =	vadd.f32 v11, v13;
	v47 =	vadd.f32 v38, v43  }
0x202: {  	v50 =	vld [tilespmem:s30+$0x1B0C0];
	v10 =	vadd.f32 v10, v12;
	v49 =	vadd.f32 v40, v45  }
0x203: {  	v52 =	vld [tilespmem:s30+$0x1B4C0];
	v9 =	vadd.f32 v9, v11;
	v51 =	vadd.f32 v42, v47  }
0x204: {  	v54 =	vld [tilespmem:s30+$0x1B8C0];
	v8 =	vadd.f32 v8, v10;
	v53 =	vadd.f32 v44, v49  }
0x205: {  	v56 =	vld [tilespmem:s30+$0x1BCC0];
	v7 =	vadd.f32 v7, v9;
	v55 =	vadd.f32 v46, v51  }
0x206: {  	v58 =	vld [tilespmem:s30+$0x1C0C0];
	v6 =	vadd.f32 v6, v8;
	v57 =	vadd.f32 v48, v53  }
0x207: {  	v5 =	vadd.f32 v5, v7;
	v59 =	vadd.f32 v50, v55  }
0x208: {  	v4 =	vadd.f32 v4, v6;
	v60 =	vadd.f32 v52, v57  }
0x209: {  	v3 =	vadd.f32 v3, v5;
	v61 =	vadd.f32 v54, v59  }
0x20a: {  	v2 =	vadd.f32 v2, v4;
	v62 =	vadd.f32 v56, v60  }
0x20b: {  	v0 =	vadd.f32 v0, v3;
	v63 =	vadd.f32 v58, v61;
	_ =	sdelay $0x1  }
.Ltmp14:
0x20c: {  	v2 =	vadd.f32 v62, v2;
	v0 =	vadd.f32 v63, v0;
	(pc) =	sbr.rel @p0 .LBB2_25-.Ltmp14, $3  }
0x20d: {  	_ = 	snop  }
0x20e: {  	v0 =	vadd.f32 v0, v2;
	_ =	sdelay $0x1  }
0x20f: {  	[tilespmem:v1+s30+$0x0 ss:$0x1] =	vst.idx.msk $0xffff, v0;
	s30 =	simm.s32 $0x0  }
0x210: {  	v0 =	vld [tilespmem:s29+$0xFFFFFFF0];
	s0 =	simm.s32 $0x80;
	s31 =	smov.u32 s29  }
.LBB2_23:
0x211: {  	p0 =	sne.s32 s0, $0x1880;
	_ =	sdelay $0x3  }
0x212: {  	v1 =	vshll.u32 v0, $0x3  }
0x213: {  	v2 =	vand.u32 $0xFFFF8000, v0;
	v0 =	vshrl.u32 v0, $0xC;
	v1 =	vand.u32 $0x7FF8, v1  }
0x214: {  	v0 =	vand.u32 $0x7, v0;
	v1 =	vor.u32 v2, v1  }
0x215: {  	s1 =	sshra.s32 s30, $0x2;
	s30 =	smov.u32 s0;
	v0 =	vor.u32 v0, v1  }
0x216: {  	[tilespmem:s1+$0x9080] =	vst v0  }
0x217: {  	v0 =	vld [tilespmem:s31+$0x0];
	_ =	sdelay $0x4  }
0x218: {  	v1 =	vshll.u32 v0, $0x3  }
.Ltmp15:
0x219: {  	v2 =	vand.u32 $0xFFFF8000, v0;
	v0 =	vshrl.u32 v0, $0xC;
	v1 =	vand.u32 $0x7FF8, v1;
	(pc) =	sbr.rel @p0 .LBB2_23-.Ltmp15, $4  }
0x21a: {  	v0 =	vand.u32 $0x7, v0;
	v1 =	vor.u32 v2, v1  }
0x21b: {  	v0 =	vor.u32 v0, v1  }
0x21c: {  	s31 =	sadd.s32 $0x200, s31;
	[tilespmem:s1+$0x9090] =	vst v0  }
0x21d: {  	s0 =	sadd.s32 $0x80, s0;
	v0 =	vld [tilespmem:s31+$0xFFFFFFF0]  }
0x21e: {  	_ =	sdelay $0x3  }
0x21f: {  	v1 =	vshll.u32 v0, $0x3  }
0x220: {  	v2 =	vand.u32 $0xFFFF8000, v0;
	v61 =	vshrl.u32 v0, $0xC;
	v1 =	vand.u32 $0x7FF8, v1  }
0x221: {  	v0 =	vand.u32 $0x7, v61;
	v1 =	vor.u32 v2, v1  }
0x222: {  	s0 =	sshra.s32 s30, $0x2;
	v0 =	vor.u32 v0, v1  }
0x223: {  	[tilespmem:s0+$0x9080] =	vst v0  }
0x224: {  	v0 =	vld [tilespmem:s31+$0x0];
	_ =	sdelay $0x4  }
0x225: {  	v62 =	vshll.u32 v0, $0x3  }
.Ltmp16:
0x226: {  	v63 =	vand.u32 $0xFFFF8000, v0;
	v0 =	vshrl.u32 v0, $0xC;
	v1 =	vand.u32 $0x7FF8, v62;
	(pc) =	sbr.rel .LBB2_25-.Ltmp16, $4  }
0x227: {  	v0 =	vand.u32 $0x7, v0;
	v1 =	vor.u32 v63, v1  }
0x228: {  	v0 =	vor.u32 v0, v1  }
0x229: {  	[tilespmem:s0+$0x9090] =	vst v0  }
0x22a: {  	[tilespmem:s16], [sflag:$0x3] =	stream.indirect.gather [hbm4b:s3+s10], $0x10, s15, s10, $0xb8;
	[tilespmem:$0x1C2C0] =	vst v63  }
.LBB2_27:
0x22b: {  	_ =	sfence.sel $0x180000  }
0x22c: {  	[bflag:$0x0] =	sbarrier.arrive $0xFFFF  }
0x22d: {  	_ =	strace $0x90000047  }
0x22e: {  	s0 =	stileid.u32;
	[bflag:$0x2] =	sbarrier.arrive $0xFFFF  }
0x22f: {  	p0 =	sne.s32 s0, $0x0;
	s0 =	rddreg [dreg:$0x1]  }
0x230: {  	s0 =	sadd.s32 @!p0 $0x100000, s0  }
0x231: {  	[sflag:s0] =	ssyncadd.tile.s32 @!p0 $0x1;
	_ =	shalt  }
.Lfunc_end2:
_tile_overlayer_lowered:
.L_overlay_start_2:
0x232: {  	(tag) =	ssettag $0x2  }
0x233: {  	s0 =	rddreg [dreg:$0x0];
	s2 =	stileid.u32  }
0x234: {  	s1 =	rddreg [dreg:$0x1];
	p0 =	sne.s32 s2, $0x0  }
0x235: {  	s3 =	rddreg [dreg:$0x2];
	[bflag:$0x3] =	sbarrier.arrive $0xFFFF;
	s2 =	simm.s32 @!p0 $0x1C04  }
0x236: {  	[timem:s3], [sflag:s2] =	dma.local @!p0 [hbm:s0], s1  }
0x237: {  	s0 =	simm.s32 @!p0 $0x4  }
0x238: {  	_ =	swait.ge @!p0 [sflag:s0], s1  }
0x239: {  	s1 =	ssub.s32 @!p0 $0x0, s1;
	[sflag:s0] =	ssyncset.done @!p0 $0x0  }
0x23a: {  	[sflag:s0] =	ssyncadd.s32 @!p0 s1  }
0x23b: {  	[bflag:$0x3] =	sbarrier.arrive $0xFFFF  }
0x23c: {  	_ =	shalt  }

</sc_bundles>
